<compile_context>
chip_gen: v7x
topology: tpu7x:2x2x1
jax: 0.10.2.dev20260603
libtpu: 0.0.44.dev20260713+nightly
codegen_flags: <defaults>
</compile_context>

<pallas_src>
import functools
import math

import jax
import jax.numpy as jnp
from jax import lax
from jax.experimental import pallas as pl
from jax.experimental.pallas import tpu as pltpu
from jax.experimental.pallas import tpu_sc as plsc

_EMBED_DIM = 32
_SEQ_LEN = 200
_BATCH = 4096
_NW = 32
_SEQ_PER_W = _BATCH // _NW
_CSEQ = 16
_N_CHUNKS = _SEQ_PER_W // _CSEQ
_SCALE = math.sqrt(_EMBED_DIM)
_H = _EMBED_DIM // 2


@jax.jit
def _tok_embed(x, table, pe):
    mesh = plsc.VectorSubcoreMesh(core_axis_name="c", subcore_axis_name="s")

    @functools.partial(
        pl.kernel,
        mesh=mesh,
        compiler_params=pltpu.CompilerParams(use_tc_tiling_on_sc=False),
        out_type=jax.ShapeDtypeStruct((_BATCH, _SEQ_LEN, _EMBED_DIM), jnp.float32),
        scratch_types=[
            pltpu.VMEM((_CSEQ, _SEQ_LEN), jnp.int32),
            pltpu.VMEM((_CSEQ, _SEQ_LEN, _EMBED_DIM), jnp.float32),
            pltpu.VMEM((_SEQ_LEN, _EMBED_DIM), jnp.float32),
            pltpu.SemaphoreType.DMA,
        ],
    )
    def k(x_hbm, table_hbm, pe_hbm, out_hbm, idx_v, rows_v, pe_v, sem):
        wid = lax.axis_index("s") * 2 + lax.axis_index("c")
        seq_base = wid * _SEQ_PER_W
        pltpu.sync_copy(pe_hbm.at[0, pl.ds(0, _SEQ_LEN), :], pe_v)

        def chunk_body(g, carry):
            s0 = seq_base + g * _CSEQ
            pltpu.sync_copy(x_hbm.at[pl.ds(s0, _CSEQ), :], idx_v)
            descs = [
                pltpu.async_copy(table_hbm.at[idx_v.at[j]], rows_v.at[j], sem)
                for j in range(_CSEQ)
            ]
            for d in descs:
                d.wait()

            def p_body(p, c2):
                pe_lo = pe_v[p, pl.ds(0, _H)]
                pe_hi = pe_v[p, pl.ds(_H, _H)]
                for j in range(_CSEQ):
                    rows_v[j, p, pl.ds(0, _H)] = (
                        rows_v[j, p, pl.ds(0, _H)] * _SCALE + pe_lo
                    )
                    rows_v[j, p, pl.ds(_H, _H)] = (
                        rows_v[j, p, pl.ds(_H, _H)] * _SCALE + pe_hi
                    )
                return c2

            lax.fori_loop(0, _SEQ_LEN, p_body, carry)
            pltpu.sync_copy(rows_v, out_hbm.at[pl.ds(s0, _CSEQ), :, :])
            return carry

        lax.fori_loop(0, _N_CHUNKS, chunk_body, 0)

    return k(x, table, pe)


def kernel(x, table, pe):
    return _tok_embed(x, table, pe)

# --- scband reference (transcript-rebuilt; emitter-appended) ---
"""Pipeline reference for scband-token-embedding-86792699117752 (READ-ONLY COPY).

The authoritative reference and input builder live on the scoring server;
editing this copy changes nothing except your own understanding.
"""

import jax, jax.numpy as jnp
import numpy as np
import math

NUM_VOCAB = 1000000
EMBED_DIM = 32
MAXLEN = 512
BATCH = 4096
SEQ_LEN = 200


def _make_pe(maxlen, d_model):
    position = jnp.arange(0, maxlen, dtype=jnp.float32)[:, None]
    div_term = jnp.exp(jnp.arange(0, d_model, 2, dtype=jnp.float32) * (-math.log(10000.0) / d_model))
    pe = jnp.zeros((maxlen, d_model), dtype=jnp.float32)
    pe = pe.at[:, 0::2].set(jnp.sin(position * div_term))
    pe = pe.at[:, 1::2].set(jnp.cos(position * div_term))
    return pe[None, :, :]


def setup_inputs(seed: int = 0) -> dict:
    key = jax.random.key(seed)
    k1, k2 = jax.random.split(key)
    x = jax.random.randint(k1, (BATCH, SEQ_LEN), 0, NUM_VOCAB, dtype=jnp.int32)
    table = jax.random.normal(k2, (NUM_VOCAB, EMBED_DIM), dtype=jnp.float32)
    table = table.at[0].set(0.0)  # padding_idx=0
    pe = _make_pe(MAXLEN, EMBED_DIM)
    return {"x": x, "table": table, "pe": pe}


def reference(x, table, pe):
    # token embedding lookup (gather) -> SparseCore-friendly
    tok = jnp.take(table, x, axis=0)
    tok = tok * math.sqrt(table.shape[1])
    # fixed sinusoidal positional encoding (buffer)
    out = tok + pe[:, :x.shape[1], :]
    # dropout is identity in eval mode
    return out

if __name__ == "__main__":
    import jax
    _d = setup_inputs()
    print(jax.jit(kernel)(*tuple(_d.values())))

</pallas_src>

<mosaic_0001>
#map = affine_map<(d0, d1) -> (0, 0)>
#map1 = affine_map<(d0, d1) -> (0, 0, 0)>
module attributes {stable_mosaic.version = 14 : i64} {
  func.func @k(%arg0: i32, %arg1: i32, %arg2: memref<4096x200xi32, #tpu.memory_space<hbm>>, %arg3: memref<1000000x32xf32, #tpu.memory_space<hbm>>, %arg4: memref<1x512x32xf32, #tpu.memory_space<hbm>>, %arg5: memref<4096x200x32xf32, #tpu.memory_space<hbm>>, %arg6: memref<16x200xi32, #tpu.memory_space<vmem>>, %arg7: memref<16x200x32xf32, #tpu.memory_space<vmem>>, %arg8: memref<200x32xf32, #tpu.memory_space<vmem>>, %arg9: memref<!tpu.dma_semaphore, #tpu.memory_space<semaphore_mem>>) attributes {dimension_semantics = [#tpu.dimension_semantics<core_parallel>, #tpu.dimension_semantics<subcore_parallel>], iteration_bounds = array<i64: 2, 16>, scalar_prefetch = 0 : i64, scratch_operands = 4 : i64, tpu.core_type = #tpu.core_type<sc_vector_subcore>, window_params = [{transform_indices = #map}, {transform_indices = #map}, {transform_indices = #map1}, {transform_indices = #map1}]} {
    %mul3A = arith.constant 2 : i32
    %mul3A_0 = arith.muli %arg1, %mul3A : i32
    %add3A = arith.addi %mul3A_0, %arg0 : i32
    %mul3A_1 = arith.constant 128 : i32
    %mul3A_2 = arith.muli %add3A, %mul3A_1 : i32
    %run_scoped3A = arith.constant 0 : i32
    "tpu.region"() ({
      %run_scoped3A_8 = tpu.sem_alloc : memref<!tpu.dma_semaphore, #tpu.memory_space<semaphore_mem>>
      %dma_start3A = arith.constant 0 : i32
      %dma_start3A_9 = arith.constant 0 : i32
      %dma_start3A_10 = tpu.memref_slice %arg4[%run_scoped3A, %dma_start3A, %dma_start3A_9] : memref<1x512x32xf32, #tpu.memory_space<hbm>> -> memref<1x200x32xf32, #tpu.memory_space<hbm>>
      %dma_start3A_11 = tpu.memref_squeeze %dma_start3A_10 : memref<1x200x32xf32, #tpu.memory_space<hbm>> -> memref<200x32xf32, #tpu.memory_space<hbm>>
      %dma_start3A_12 = arith.constant 0 : i32
      %dma_start3A_13 = arith.constant 0 : i32
      %dma_start3A_14 = tpu.memref_slice %arg4[%run_scoped3A, %dma_start3A_12, %dma_start3A_13] : memref<1x512x32xf32, #tpu.memory_space<hbm>> -> memref<1x200x32xf32, #tpu.memory_space<hbm>>
      %dma_start3A_15 = tpu.memref_squeeze %dma_start3A_14 : memref<1x200x32xf32, #tpu.memory_space<hbm>> -> memref<200x32xf32, #tpu.memory_space<hbm>>
      tpu.enqueue_dma source(%dma_start3A_15 : memref<200x32xf32, #tpu.memory_space<hbm>>) target(%arg8 : memref<200x32xf32, #tpu.memory_space<vmem>>) target_semaphore(%run_scoped3A_8 : memref<!tpu.dma_semaphore, #tpu.memory_space<semaphore_mem>>)
      %dma_wait3A = arith.constant 0 : i32
      %dma_wait3A_16 = arith.constant 0 : i32
      %dma_wait3A_17 = tpu.memref_slice %arg4[%run_scoped3A, %dma_wait3A, %dma_wait3A_16] : memref<1x512x32xf32, #tpu.memory_space<hbm>> -> memref<1x200x32xf32, #tpu.memory_space<hbm>>
      %dma_wait3A_18 = tpu.memref_squeeze %dma_wait3A_17 : memref<1x200x32xf32, #tpu.memory_space<hbm>> -> memref<200x32xf32, #tpu.memory_space<hbm>>
      %dma_wait3A_19 = arith.constant 0 : i32
      %dma_wait3A_20 = arith.constant 0 : i32
      %dma_wait3A_21 = tpu.memref_slice %arg4[%run_scoped3A, %dma_wait3A_19, %dma_wait3A_20] : memref<1x512x32xf32, #tpu.memory_space<hbm>> -> memref<1x200x32xf32, #tpu.memory_space<hbm>>
      %dma_wait3A_22 = tpu.memref_squeeze %dma_wait3A_21 : memref<1x200x32xf32, #tpu.memory_space<hbm>> -> memref<200x32xf32, #tpu.memory_space<hbm>>
      tpu.wait_dma2 semaphore(%run_scoped3A_8 : memref<!tpu.dma_semaphore, #tpu.memory_space<semaphore_mem>>) src(%dma_wait3A_22 : memref<200x32xf32, #tpu.memory_space<hbm>>) dst(%arg8 : memref<200x32xf32, #tpu.memory_space<vmem>>)
      tpu.yield
    }) : () -> ()
    %scan3A = arith.constant 0 : i32
    %scan3A_3 = arith.constant 0 : i32
    %scan3A_4 = arith.constant 8 : i32
    %scan3A_5 = arith.addi %scan3A_3, %scan3A_4 : i32
    %scan3A_6 = arith.constant 1 : i32
    scf.for %scan3A_8 = %scan3A_3 to %scan3A_5 step %scan3A_6  : i32 {
      %mul3A_9 = arith.constant 16 : i32
      %mul3A_10 = arith.muli %scan3A_8, %mul3A_9 : i32
      %add3A_11 = arith.addi %mul3A_2, %mul3A_10 : i32
      "tpu.region"() ({
        %run_scoped3A_399 = tpu.sem_alloc : memref<!tpu.dma_semaphore, #tpu.memory_space<semaphore_mem>>
        %dma_start3A_400 = arith.constant 0 : i32
        %dma_start3A_401 = tpu.memref_slice %arg2[%add3A_11, %dma_start3A_400] : memref<4096x200xi32, #tpu.memory_space<hbm>> -> memref<16x200xi32, #tpu.memory_space<hbm>>
        %dma_start3A_402 = arith.constant 0 : i32
        %dma_start3A_403 = tpu.memref_slice %arg2[%add3A_11, %dma_start3A_402] : memref<4096x200xi32, #tpu.memory_space<hbm>> -> memref<16x200xi32, #tpu.memory_space<hbm>>
        tpu.enqueue_dma source(%dma_start3A_403 : memref<16x200xi32, #tpu.memory_space<hbm>>) target(%arg6 : memref<16x200xi32, #tpu.memory_space<vmem>>) target_semaphore(%run_scoped3A_399 : memref<!tpu.dma_semaphore, #tpu.memory_space<semaphore_mem>>)
        %dma_wait3A_404 = arith.constant 0 : i32
        %dma_wait3A_405 = tpu.memref_slice %arg2[%add3A_11, %dma_wait3A_404] : memref<4096x200xi32, #tpu.memory_space<hbm>> -> memref<16x200xi32, #tpu.memory_space<hbm>>
        %dma_wait3A_406 = arith.constant 0 : i32
        %dma_wait3A_407 = tpu.memref_slice %arg2[%add3A_11, %dma_wait3A_406] : memref<4096x200xi32, #tpu.memory_space<hbm>> -> memref<16x200xi32, #tpu.memory_space<hbm>>
        tpu.wait_dma2 semaphore(%run_scoped3A_399 : memref<!tpu.dma_semaphore, #tpu.memory_space<semaphore_mem>>) src(%dma_wait3A_407 : memref<16x200xi32, #tpu.memory_space<hbm>>) dst(%arg6 : memref<16x200xi32, #tpu.memory_space<vmem>>)
        tpu.yield
      }) : () -> ()
      %dma_start3A = arith.constant 0 : i32
      %dma_start3A_12 = arith.constant 0 : i32
      %dma_start3A_13 = arith.constant 0 : i32
      %dma_start3A_14 = arith.constant 0 : i32
      %dma_start3A_15 = tpu.memref_slice %arg7[%dma_start3A_12, %dma_start3A_13, %dma_start3A_14] : memref<16x200x32xf32, #tpu.memory_space<vmem>> -> memref<1x200x32xf32, #tpu.memory_space<vmem>>
      %dma_start3A_16 = tpu.memref_squeeze %dma_start3A_15 : memref<1x200x32xf32, #tpu.memory_space<vmem>> -> memref<200x32xf32, #tpu.memory_space<vmem>>
      %dma_start3A_17 = arith.constant 0 : i32
      %dma_start3A_18 = tpu.memref_slice %arg6[%dma_start3A, %dma_start3A_17] : memref<16x200xi32, #tpu.memory_space<vmem>> -> memref<1x200xi32, #tpu.memory_space<vmem>>
      %dma_start3A_19 = tpu.memref_squeeze %dma_start3A_18 : memref<1x200xi32, #tpu.memory_space<vmem>> -> memref<200xi32, #tpu.memory_space<vmem>>
      %dma_start3A_20 = arith.constant 0 : i32
      %dma_start3A_21 = arith.constant 0 : i32
      %dma_start3A_22 = tpu.memref_slice %arg3[%dma_start3A_20, %dma_start3A_21] : memref<1000000x32xf32, #tpu.memory_space<hbm>> -> memref<1000000x32xf32, #tpu.memory_space<hbm>>
      tpu.enqueue_indirect_dma source(%dma_start3A_22 : memref<1000000x32xf32, #tpu.memory_space<hbm>>) target(%dma_start3A_16 : memref<200x32xf32, #tpu.memory_space<vmem>>) offsets(%dma_start3A_19 : memref<200xi32, #tpu.memory_space<vmem>>) semaphore(%arg9 : memref<!tpu.dma_semaphore, #tpu.memory_space<semaphore_mem>>)
      %dma_start3A_23 = arith.constant 1 : i32
      %dma_start3A_24 = arith.constant 1 : i32
      %dma_start3A_25 = arith.constant 0 : i32
      %dma_start3A_26 = arith.constant 0 : i32
      %dma_start3A_27 = tpu.memref_slice %arg7[%dma_start3A_24, %dma_start3A_25, %dma_start3A_26] : memref<16x200x32xf32, #tpu.memory_space<vmem>> -> memref<1x200x32xf32, #tpu.memory_space<vmem>>
      %dma_start3A_28 = tpu.memref_squeeze %dma_start3A_27 : memref<1x200x32xf32, #tpu.memory_space<vmem>> -> memref<200x32xf32, #tpu.memory_space<vmem>>
      %dma_start3A_29 = arith.constant 0 : i32
      %dma_start3A_30 = tpu.memref_slice %arg6[%dma_start3A_23, %dma_start3A_29] : memref<16x200xi32, #tpu.memory_space<vmem>> -> memref<1x200xi32, #tpu.memory_space<vmem>>
      %dma_start3A_31 = tpu.memref_squeeze %dma_start3A_30 : memref<1x200xi32, #tpu.memory_space<vmem>> -> memref<200xi32, #tpu.memory_space<vmem>>
      %dma_start3A_32 = arith.constant 0 : i32
      %dma_start3A_33 = arith.constant 0 : i32
      %dma_start3A_34 = tpu.memref_slice %arg3[%dma_start3A_32, %dma_start3A_33] : memref<1000000x32xf32, #tpu.memory_space<hbm>> -> memref<1000000x32xf32, #tpu.memory_space<hbm>>
      tpu.enqueue_indirect_dma source(%dma_start3A_34 : memref<1000000x32xf32, #tpu.memory_space<hbm>>) target(%dma_start3A_28 : memref<200x32xf32, #tpu.memory_space<vmem>>) offsets(%dma_start3A_31 : memref<200xi32, #tpu.memory_space<vmem>>) semaphore(%arg9 : memref<!tpu.dma_semaphore, #tpu.memory_space<semaphore_mem>>)
      %dma_start3A_35 = arith.constant 2 : i32
      %dma_start3A_36 = arith.constant 2 : i32
      %dma_start3A_37 = arith.constant 0 : i32
      %dma_start3A_38 = arith.constant 0 : i32
      %dma_start3A_39 = tpu.memref_slice %arg7[%dma_start3A_36, %dma_start3A_37, %dma_start3A_38] : memref<16x200x32xf32, #tpu.memory_space<vmem>> -> memref<1x200x32xf32, #tpu.memory_space<vmem>>
      %dma_start3A_40 = tpu.memref_squeeze %dma_start3A_39 : memref<1x200x32xf32, #tpu.memory_space<vmem>> -> memref<200x32xf32, #tpu.memory_space<vmem>>
      %dma_start3A_41 = arith.constant 0 : i32
      %dma_start3A_42 = tpu.memref_slice %arg6[%dma_start3A_35, %dma_start3A_41] : memref<16x200xi32, #tpu.memory_space<vmem>> -> memref<1x200xi32, #tpu.memory_space<vmem>>
      %dma_start3A_43 = tpu.memref_squeeze %dma_start3A_42 : memref<1x200xi32, #tpu.memory_space<vmem>> -> memref<200xi32, #tpu.memory_space<vmem>>
      %dma_start3A_44 = arith.constant 0 : i32
      %dma_start3A_45 = arith.constant 0 : i32
      %dma_start3A_46 = tpu.memref_slice %arg3[%dma_start3A_44, %dma_start3A_45] : memref<1000000x32xf32, #tpu.memory_space<hbm>> -> memref<1000000x32xf32, #tpu.memory_space<hbm>>
      tpu.enqueue_indirect_dma source(%dma_start3A_46 : memref<1000000x32xf32, #tpu.memory_space<hbm>>) target(%dma_start3A_40 : memref<200x32xf32, #tpu.memory_space<vmem>>) offsets(%dma_start3A_43 : memref<200xi32, #tpu.memory_space<vmem>>) semaphore(%arg9 : memref<!tpu.dma_semaphore, #tpu.memory_space<semaphore_mem>>)
      %dma_start3A_47 = arith.constant 3 : i32
      %dma_start3A_48 = arith.constant 3 : i32
      %dma_start3A_49 = arith.constant 0 : i32
      %dma_start3A_50 = arith.constant 0 : i32
      %dma_start3A_51 = tpu.memref_slice %arg7[%dma_start3A_48, %dma_start3A_49, %dma_start3A_50] : memref<16x200x32xf32, #tpu.memory_space<vmem>> -> memref<1x200x32xf32, #tpu.memory_space<vmem>>
      %dma_start3A_52 = tpu.memref_squeeze %dma_start3A_51 : memref<1x200x32xf32, #tpu.memory_space<vmem>> -> memref<200x32xf32, #tpu.memory_space<vmem>>
      %dma_start3A_53 = arith.constant 0 : i32
      %dma_start3A_54 = tpu.memref_slice %arg6[%dma_start3A_47, %dma_start3A_53] : memref<16x200xi32, #tpu.memory_space<vmem>> -> memref<1x200xi32, #tpu.memory_space<vmem>>
      %dma_start3A_55 = tpu.memref_squeeze %dma_start3A_54 : memref<1x200xi32, #tpu.memory_space<vmem>> -> memref<200xi32, #tpu.memory_space<vmem>>
      %dma_start3A_56 = arith.constant 0 : i32
      %dma_start3A_57 = arith.constant 0 : i32
      %dma_start3A_58 = tpu.memref_slice %arg3[%dma_start3A_56, %dma_start3A_57] : memref<1000000x32xf32, #tpu.memory_space<hbm>> -> memref<1000000x32xf32, #tpu.memory_space<hbm>>
      tpu.enqueue_indirect_dma source(%dma_start3A_58 : memref<1000000x32xf32, #tpu.memory_space<hbm>>) target(%dma_start3A_52 : memref<200x32xf32, #tpu.memory_space<vmem>>) offsets(%dma_start3A_55 : memref<200xi32, #tpu.memory_space<vmem>>) semaphore(%arg9 : memref<!tpu.dma_semaphore, #tpu.memory_space<semaphore_mem>>)
      %dma_start3A_59 = arith.constant 4 : i32
      %dma_start3A_60 = arith.constant 4 : i32
      %dma_start3A_61 = arith.constant 0 : i32
      %dma_start3A_62 = arith.constant 0 : i32
      %dma_start3A_63 = tpu.memref_slice %arg7[%dma_start3A_60, %dma_start3A_61, %dma_start3A_62] : memref<16x200x32xf32, #tpu.memory_space<vmem>> -> memref<1x200x32xf32, #tpu.memory_space<vmem>>
      %dma_start3A_64 = tpu.memref_squeeze %dma_start3A_63 : memref<1x200x32xf32, #tpu.memory_space<vmem>> -> memref<200x32xf32, #tpu.memory_space<vmem>>
      %dma_start3A_65 = arith.constant 0 : i32
      %dma_start3A_66 = tpu.memref_slice %arg6[%dma_start3A_59, %dma_start3A_65] : memref<16x200xi32, #tpu.memory_space<vmem>> -> memref<1x200xi32, #tpu.memory_space<vmem>>
      %dma_start3A_67 = tpu.memref_squeeze %dma_start3A_66 : memref<1x200xi32, #tpu.memory_space<vmem>> -> memref<200xi32, #tpu.memory_space<vmem>>
      %dma_start3A_68 = arith.constant 0 : i32
      %dma_start3A_69 = arith.constant 0 : i32
      %dma_start3A_70 = tpu.memref_slice %arg3[%dma_start3A_68, %dma_start3A_69] : memref<1000000x32xf32, #tpu.memory_space<hbm>> -> memref<1000000x32xf32, #tpu.memory_space<hbm>>
      tpu.enqueue_indirect_dma source(%dma_start3A_70 : memref<1000000x32xf32, #tpu.memory_space<hbm>>) target(%dma_start3A_64 : memref<200x32xf32, #tpu.memory_space<vmem>>) offsets(%dma_start3A_67 : memref<200xi32, #tpu.memory_space<vmem>>) semaphore(%arg9 : memref<!tpu.dma_semaphore, #tpu.memory_space<semaphore_mem>>)
      %dma_start3A_71 = arith.constant 5 : i32
      %dma_start3A_72 = arith.constant 5 : i32
      %dma_start3A_73 = arith.constant 0 : i32
      %dma_start3A_74 = arith.constant 0 : i32
      %dma_start3A_75 = tpu.memref_slice %arg7[%dma_start3A_72, %dma_start3A_73, %dma_start3A_74] : memref<16x200x32xf32, #tpu.memory_space<vmem>> -> memref<1x200x32xf32, #tpu.memory_space<vmem>>
      %dma_start3A_76 = tpu.memref_squeeze %dma_start3A_75 : memref<1x200x32xf32, #tpu.memory_space<vmem>> -> memref<200x32xf32, #tpu.memory_space<vmem>>
      %dma_start3A_77 = arith.constant 0 : i32
      %dma_start3A_78 = tpu.memref_slice %arg6[%dma_start3A_71, %dma_start3A_77] : memref<16x200xi32, #tpu.memory_space<vmem>> -> memref<1x200xi32, #tpu.memory_space<vmem>>
      %dma_start3A_79 = tpu.memref_squeeze %dma_start3A_78 : memref<1x200xi32, #tpu.memory_space<vmem>> -> memref<200xi32, #tpu.memory_space<vmem>>
      %dma_start3A_80 = arith.constant 0 : i32
      %dma_start3A_81 = arith.constant 0 : i32
      %dma_start3A_82 = tpu.memref_slice %arg3[%dma_start3A_80, %dma_start3A_81] : memref<1000000x32xf32, #tpu.memory_space<hbm>> -> memref<1000000x32xf32, #tpu.memory_space<hbm>>
      tpu.enqueue_indirect_dma source(%dma_start3A_82 : memref<1000000x32xf32, #tpu.memory_space<hbm>>) target(%dma_start3A_76 : memref<200x32xf32, #tpu.memory_space<vmem>>) offsets(%dma_start3A_79 : memref<200xi32, #tpu.memory_space<vmem>>) semaphore(%arg9 : memref<!tpu.dma_semaphore, #tpu.memory_space<semaphore_mem>>)
      %dma_start3A_83 = arith.constant 6 : i32
      %dma_start3A_84 = arith.constant 6 : i32
      %dma_start3A_85 = arith.constant 0 : i32
      %dma_start3A_86 = arith.constant 0 : i32
      %dma_start3A_87 = tpu.memref_slice %arg7[%dma_start3A_84, %dma_start3A_85, %dma_start3A_86] : memref<16x200x32xf32, #tpu.memory_space<vmem>> -> memref<1x200x32xf32, #tpu.memory_space<vmem>>
      %dma_start3A_88 = tpu.memref_squeeze %dma_start3A_87 : memref<1x200x32xf32, #tpu.memory_space<vmem>> -> memref<200x32xf32, #tpu.memory_space<vmem>>
      %dma_start3A_89 = arith.constant 0 : i32
      %dma_start3A_90 = tpu.memref_slice %arg6[%dma_start3A_83, %dma_start3A_89] : memref<16x200xi32, #tpu.memory_space<vmem>> -> memref<1x200xi32, #tpu.memory_space<vmem>>
      %dma_start3A_91 = tpu.memref_squeeze %dma_start3A_90 : memref<1x200xi32, #tpu.memory_space<vmem>> -> memref<200xi32, #tpu.memory_space<vmem>>
      %dma_start3A_92 = arith.constant 0 : i32
      %dma_start3A_93 = arith.constant 0 : i32
      %dma_start3A_94 = tpu.memref_slice %arg3[%dma_start3A_92, %dma_start3A_93] : memref<1000000x32xf32, #tpu.memory_space<hbm>> -> memref<1000000x32xf32, #tpu.memory_space<hbm>>
      tpu.enqueue_indirect_dma source(%dma_start3A_94 : memref<1000000x32xf32, #tpu.memory_space<hbm>>) target(%dma_start3A_88 : memref<200x32xf32, #tpu.memory_space<vmem>>) offsets(%dma_start3A_91 : memref<200xi32, #tpu.memory_space<vmem>>) semaphore(%arg9 : memref<!tpu.dma_semaphore, #tpu.memory_space<semaphore_mem>>)
      %dma_start3A_95 = arith.constant 7 : i32
      %dma_start3A_96 = arith.constant 7 : i32
      %dma_start3A_97 = arith.constant 0 : i32
      %dma_start3A_98 = arith.constant 0 : i32
      %dma_start3A_99 = tpu.memref_slice %arg7[%dma_start3A_96, %dma_start3A_97, %dma_start3A_98] : memref<16x200x32xf32, #tpu.memory_space<vmem>> -> memref<1x200x32xf32, #tpu.memory_space<vmem>>
      %dma_start3A_100 = tpu.memref_squeeze %dma_start3A_99 : memref<1x200x32xf32, #tpu.memory_space<vmem>> -> memref<200x32xf32, #tpu.memory_space<vmem>>
      %dma_start3A_101 = arith.constant 0 : i32
      %dma_start3A_102 = tpu.memref_slice %arg6[%dma_start3A_95, %dma_start3A_101] : memref<16x200xi32, #tpu.memory_space<vmem>> -> memref<1x200xi32, #tpu.memory_space<vmem>>
      %dma_start3A_103 = tpu.memref_squeeze %dma_start3A_102 : memref<1x200xi32, #tpu.memory_space<vmem>> -> memref<200xi32, #tpu.memory_space<vmem>>
      %dma_start3A_104 = arith.constant 0 : i32
      %dma_start3A_105 = arith.constant 0 : i32
      %dma_start3A_106 = tpu.memref_slice %arg3[%dma_start3A_104, %dma_start3A_105] : memref<1000000x32xf32, #tpu.memory_space<hbm>> -> memref<1000000x32xf32, #tpu.memory_space<hbm>>
      tpu.enqueue_indirect_dma source(%dma_start3A_106 : memref<1000000x32xf32, #tpu.memory_space<hbm>>) target(%dma_start3A_100 : memref<200x32xf32, #tpu.memory_space<vmem>>) offsets(%dma_start3A_103 : memref<200xi32, #tpu.memory_space<vmem>>) semaphore(%arg9 : memref<!tpu.dma_semaphore, #tpu.memory_space<semaphore_mem>>)
      %dma_start3A_107 = arith.constant 8 : i32
      %dma_start3A_108 = arith.constant 8 : i32
      %dma_start3A_109 = arith.constant 0 : i32
      %dma_start3A_110 = arith.constant 0 : i32
      %dma_start3A_111 = tpu.memref_slice %arg7[%dma_start3A_108, %dma_start3A_109, %dma_start3A_110] : memref<16x200x32xf32, #tpu.memory_space<vmem>> -> memref<1x200x32xf32, #tpu.memory_space<vmem>>
      %dma_start3A_112 = tpu.memref_squeeze %dma_start3A_111 : memref<1x200x32xf32, #tpu.memory_space<vmem>> -> memref<200x32xf32, #tpu.memory_space<vmem>>
      %dma_start3A_113 = arith.constant 0 : i32
      %dma_start3A_114 = tpu.memref_slice %arg6[%dma_start3A_107, %dma_start3A_113] : memref<16x200xi32, #tpu.memory_space<vmem>> -> memref<1x200xi32, #tpu.memory_space<vmem>>
      %dma_start3A_115 = tpu.memref_squeeze %dma_start3A_114 : memref<1x200xi32, #tpu.memory_space<vmem>> -> memref<200xi32, #tpu.memory_space<vmem>>
      %dma_start3A_116 = arith.constant 0 : i32
      %dma_start3A_117 = arith.constant 0 : i32
      %dma_start3A_118 = tpu.memref_slice %arg3[%dma_start3A_116, %dma_start3A_117] : memref<1000000x32xf32, #tpu.memory_space<hbm>> -> memref<1000000x32xf32, #tpu.memory_space<hbm>>
      tpu.enqueue_indirect_dma source(%dma_start3A_118 : memref<1000000x32xf32, #tpu.memory_space<hbm>>) target(%dma_start3A_112 : memref<200x32xf32, #tpu.memory_space<vmem>>) offsets(%dma_start3A_115 : memref<200xi32, #tpu.memory_space<vmem>>) semaphore(%arg9 : memref<!tpu.dma_semaphore, #tpu.memory_space<semaphore_mem>>)
      %dma_start3A_119 = arith.constant 9 : i32
      %dma_start3A_120 = arith.constant 9 : i32
      %dma_start3A_121 = arith.constant 0 : i32
      %dma_start3A_122 = arith.constant 0 : i32
      %dma_start3A_123 = tpu.memref_slice %arg7[%dma_start3A_120, %dma_start3A_121, %dma_start3A_122] : memref<16x200x32xf32, #tpu.memory_space<vmem>> -> memref<1x200x32xf32, #tpu.memory_space<vmem>>
      %dma_start3A_124 = tpu.memref_squeeze %dma_start3A_123 : memref<1x200x32xf32, #tpu.memory_space<vmem>> -> memref<200x32xf32, #tpu.memory_space<vmem>>
      %dma_start3A_125 = arith.constant 0 : i32
      %dma_start3A_126 = tpu.memref_slice %arg6[%dma_start3A_119, %dma_start3A_125] : memref<16x200xi32, #tpu.memory_space<vmem>> -> memref<1x200xi32, #tpu.memory_space<vmem>>
      %dma_start3A_127 = tpu.memref_squeeze %dma_start3A_126 : memref<1x200xi32, #tpu.memory_space<vmem>> -> memref<200xi32, #tpu.memory_space<vmem>>
      %dma_start3A_128 = arith.constant 0 : i32
      %dma_start3A_129 = arith.constant 0 : i32
      %dma_start3A_130 = tpu.memref_slice %arg3[%dma_start3A_128, %dma_start3A_129] : memref<1000000x32xf32, #tpu.memory_space<hbm>> -> memref<1000000x32xf32, #tpu.memory_space<hbm>>
      tpu.enqueue_indirect_dma source(%dma_start3A_130 : memref<1000000x32xf32, #tpu.memory_space<hbm>>) target(%dma_start3A_124 : memref<200x32xf32, #tpu.memory_space<vmem>>) offsets(%dma_start3A_127 : memref<200xi32, #tpu.memory_space<vmem>>) semaphore(%arg9 : memref<!tpu.dma_semaphore, #tpu.memory_space<semaphore_mem>>)
      %dma_start3A_131 = arith.constant 10 : i32
      %dma_start3A_132 = arith.constant 10 : i32
      %dma_start3A_133 = arith.constant 0 : i32
      %dma_start3A_134 = arith.constant 0 : i32
      %dma_start3A_135 = tpu.memref_slice %arg7[%dma_start3A_132, %dma_start3A_133, %dma_start3A_134] : memref<16x200x32xf32, #tpu.memory_space<vmem>> -> memref<1x200x32xf32, #tpu.memory_space<vmem>>
      %dma_start3A_136 = tpu.memref_squeeze %dma_start3A_135 : memref<1x200x32xf32, #tpu.memory_space<vmem>> -> memref<200x32xf32, #tpu.memory_space<vmem>>
      %dma_start3A_137 = arith.constant 0 : i32
      %dma_start3A_138 = tpu.memref_slice %arg6[%dma_start3A_131, %dma_start3A_137] : memref<16x200xi32, #tpu.memory_space<vmem>> -> memref<1x200xi32, #tpu.memory_space<vmem>>
      %dma_start3A_139 = tpu.memref_squeeze %dma_start3A_138 : memref<1x200xi32, #tpu.memory_space<vmem>> -> memref<200xi32, #tpu.memory_space<vmem>>
      %dma_start3A_140 = arith.constant 0 : i32
      %dma_start3A_141 = arith.constant 0 : i32
      %dma_start3A_142 = tpu.memref_slice %arg3[%dma_start3A_140, %dma_start3A_141] : memref<1000000x32xf32, #tpu.memory_space<hbm>> -> memref<1000000x32xf32, #tpu.memory_space<hbm>>
      tpu.enqueue_indirect_dma source(%dma_start3A_142 : memref<1000000x32xf32, #tpu.memory_space<hbm>>) target(%dma_start3A_136 : memref<200x32xf32, #tpu.memory_space<vmem>>) offsets(%dma_start3A_139 : memref<200xi32, #tpu.memory_space<vmem>>) semaphore(%arg9 : memref<!tpu.dma_semaphore, #tpu.memory_space<semaphore_mem>>)
      %dma_start3A_143 = arith.constant 11 : i32
      %dma_start3A_144 = arith.constant 11 : i32
      %dma_start3A_145 = arith.constant 0 : i32
      %dma_start3A_146 = arith.constant 0 : i32
      %dma_start3A_147 = tpu.memref_slice %arg7[%dma_start3A_144, %dma_start3A_145, %dma_start3A_146] : memref<16x200x32xf32, #tpu.memory_space<vmem>> -> memref<1x200x32xf32, #tpu.memory_space<vmem>>
      %dma_start3A_148 = tpu.memref_squeeze %dma_start3A_147 : memref<1x200x32xf32, #tpu.memory_space<vmem>> -> memref<200x32xf32, #tpu.memory_space<vmem>>
      %dma_start3A_149 = arith.constant 0 : i32
      %dma_start3A_150 = tpu.memref_slice %arg6[%dma_start3A_143, %dma_start3A_149] : memref<16x200xi32, #tpu.memory_space<vmem>> -> memref<1x200xi32, #tpu.memory_space<vmem>>
      %dma_start3A_151 = tpu.memref_squeeze %dma_start3A_150 : memref<1x200xi32, #tpu.memory_space<vmem>> -> memref<200xi32, #tpu.memory_space<vmem>>
      %dma_start3A_152 = arith.constant 0 : i32
      %dma_start3A_153 = arith.constant 0 : i32
      %dma_start3A_154 = tpu.memref_slice %arg3[%dma_start3A_152, %dma_start3A_153] : memref<1000000x32xf32, #tpu.memory_space<hbm>> -> memref<1000000x32xf32, #tpu.memory_space<hbm>>
      tpu.enqueue_indirect_dma source(%dma_start3A_154 : memref<1000000x32xf32, #tpu.memory_space<hbm>>) target(%dma_start3A_148 : memref<200x32xf32, #tpu.memory_space<vmem>>) offsets(%dma_start3A_151 : memref<200xi32, #tpu.memory_space<vmem>>) semaphore(%arg9 : memref<!tpu.dma_semaphore, #tpu.memory_space<semaphore_mem>>)
      %dma_start3A_155 = arith.constant 12 : i32
      %dma_start3A_156 = arith.constant 12 : i32
      %dma_start3A_157 = arith.constant 0 : i32
      %dma_start3A_158 = arith.constant 0 : i32
      %dma_start3A_159 = tpu.memref_slice %arg7[%dma_start3A_156, %dma_start3A_157, %dma_start3A_158] : memref<16x200x32xf32, #tpu.memory_space<vmem>> -> memref<1x200x32xf32, #tpu.memory_space<vmem>>
      %dma_start3A_160 = tpu.memref_squeeze %dma_start3A_159 : memref<1x200x32xf32, #tpu.memory_space<vmem>> -> memref<200x32xf32, #tpu.memory_space<vmem>>
      %dma_start3A_161 = arith.constant 0 : i32
      %dma_start3A_162 = tpu.memref_slice %arg6[%dma_start3A_155, %dma_start3A_161] : memref<16x200xi32, #tpu.memory_space<vmem>> -> memref<1x200xi32, #tpu.memory_space<vmem>>
      %dma_start3A_163 = tpu.memref_squeeze %dma_start3A_162 : memref<1x200xi32, #tpu.memory_space<vmem>> -> memref<200xi32, #tpu.memory_space<vmem>>
      %dma_start3A_164 = arith.constant 0 : i32
      %dma_start3A_165 = arith.constant 0 : i32
      %dma_start3A_166 = tpu.memref_slice %arg3[%dma_start3A_164, %dma_start3A_165] : memref<1000000x32xf32, #tpu.memory_space<hbm>> -> memref<1000000x32xf32, #tpu.memory_space<hbm>>
      tpu.enqueue_indirect_dma source(%dma_start3A_166 : memref<1000000x32xf32, #tpu.memory_space<hbm>>) target(%dma_start3A_160 : memref<200x32xf32, #tpu.memory_space<vmem>>) offsets(%dma_start3A_163 : memref<200xi32, #tpu.memory_space<vmem>>) semaphore(%arg9 : memref<!tpu.dma_semaphore, #tpu.memory_space<semaphore_mem>>)
      %dma_start3A_167 = arith.constant 13 : i32
      %dma_start3A_168 = arith.constant 13 : i32
      %dma_start3A_169 = arith.constant 0 : i32
      %dma_start3A_170 = arith.constant 0 : i32
      %dma_start3A_171 = tpu.memref_slice %arg7[%dma_start3A_168, %dma_start3A_169, %dma_start3A_170] : memref<16x200x32xf32, #tpu.memory_space<vmem>> -> memref<1x200x32xf32, #tpu.memory_space<vmem>>
      %dma_start3A_172 = tpu.memref_squeeze %dma_start3A_171 : memref<1x200x32xf32, #tpu.memory_space<vmem>> -> memref<200x32xf32, #tpu.memory_space<vmem>>
      %dma_start3A_173 = arith.constant 0 : i32
      %dma_start3A_174 = tpu.memref_slice %arg6[%dma_start3A_167, %dma_start3A_173] : memref<16x200xi32, #tpu.memory_space<vmem>> -> memref<1x200xi32, #tpu.memory_space<vmem>>
      %dma_start3A_175 = tpu.memref_squeeze %dma_start3A_174 : memref<1x200xi32, #tpu.memory_space<vmem>> -> memref<200xi32, #tpu.memory_space<vmem>>
      %dma_start3A_176 = arith.constant 0 : i32
      %dma_start3A_177 = arith.constant 0 : i32
      %dma_start3A_178 = tpu.memref_slice %arg3[%dma_start3A_176, %dma_start3A_177] : memref<1000000x32xf32, #tpu.memory_space<hbm>> -> memref<1000000x32xf32, #tpu.memory_space<hbm>>
      tpu.enqueue_indirect_dma source(%dma_start3A_178 : memref<1000000x32xf32, #tpu.memory_space<hbm>>) target(%dma_start3A_172 : memref<200x32xf32, #tpu.memory_space<vmem>>) offsets(%dma_start3A_175 : memref<200xi32, #tpu.memory_space<vmem>>) semaphore(%arg9 : memref<!tpu.dma_semaphore, #tpu.memory_space<semaphore_mem>>)
      %dma_start3A_179 = arith.constant 14 : i32
      %dma_start3A_180 = arith.constant 14 : i32
      %dma_start3A_181 = arith.constant 0 : i32
      %dma_start3A_182 = arith.constant 0 : i32
      %dma_start3A_183 = tpu.memref_slice %arg7[%dma_start3A_180, %dma_start3A_181, %dma_start3A_182] : memref<16x200x32xf32, #tpu.memory_space<vmem>> -> memref<1x200x32xf32, #tpu.memory_space<vmem>>
      %dma_start3A_184 = tpu.memref_squeeze %dma_start3A_183 : memref<1x200x32xf32, #tpu.memory_space<vmem>> -> memref<200x32xf32, #tpu.memory_space<vmem>>
      %dma_start3A_185 = arith.constant 0 : i32
      %dma_start3A_186 = tpu.memref_slice %arg6[%dma_start3A_179, %dma_start3A_185] : memref<16x200xi32, #tpu.memory_space<vmem>> -> memref<1x200xi32, #tpu.memory_space<vmem>>
      %dma_start3A_187 = tpu.memref_squeeze %dma_start3A_186 : memref<1x200xi32, #tpu.memory_space<vmem>> -> memref<200xi32, #tpu.memory_space<vmem>>
      %dma_start3A_188 = arith.constant 0 : i32
      %dma_start3A_189 = arith.constant 0 : i32
      %dma_start3A_190 = tpu.memref_slice %arg3[%dma_start3A_188, %dma_start3A_189] : memref<1000000x32xf32, #tpu.memory_space<hbm>> -> memref<1000000x32xf32, #tpu.memory_space<hbm>>
      tpu.enqueue_indirect_dma source(%dma_start3A_190 : memref<1000000x32xf32, #tpu.memory_space<hbm>>) target(%dma_start3A_184 : memref<200x32xf32, #tpu.memory_space<vmem>>) offsets(%dma_start3A_187 : memref<200xi32, #tpu.memory_space<vmem>>) semaphore(%arg9 : memref<!tpu.dma_semaphore, #tpu.memory_space<semaphore_mem>>)
      %dma_start3A_191 = arith.constant 15 : i32
      %dma_start3A_192 = arith.constant 15 : i32
      %dma_start3A_193 = arith.constant 0 : i32
      %dma_start3A_194 = arith.constant 0 : i32
      %dma_start3A_195 = tpu.memref_slice %arg7[%dma_start3A_192, %dma_start3A_193, %dma_start3A_194] : memref<16x200x32xf32, #tpu.memory_space<vmem>> -> memref<1x200x32xf32, #tpu.memory_space<vmem>>
      %dma_start3A_196 = tpu.memref_squeeze %dma_start3A_195 : memref<1x200x32xf32, #tpu.memory_space<vmem>> -> memref<200x32xf32, #tpu.memory_space<vmem>>
      %dma_start3A_197 = arith.constant 0 : i32
      %dma_start3A_198 = tpu.memref_slice %arg6[%dma_start3A_191, %dma_start3A_197] : memref<16x200xi32, #tpu.memory_space<vmem>> -> memref<1x200xi32, #tpu.memory_space<vmem>>
      %dma_start3A_199 = tpu.memref_squeeze %dma_start3A_198 : memref<1x200xi32, #tpu.memory_space<vmem>> -> memref<200xi32, #tpu.memory_space<vmem>>
      %dma_start3A_200 = arith.constant 0 : i32
      %dma_start3A_201 = arith.constant 0 : i32
      %dma_start3A_202 = tpu.memref_slice %arg3[%dma_start3A_200, %dma_start3A_201] : memref<1000000x32xf32, #tpu.memory_space<hbm>> -> memref<1000000x32xf32, #tpu.memory_space<hbm>>
      tpu.enqueue_indirect_dma source(%dma_start3A_202 : memref<1000000x32xf32, #tpu.memory_space<hbm>>) target(%dma_start3A_196 : memref<200x32xf32, #tpu.memory_space<vmem>>) offsets(%dma_start3A_199 : memref<200xi32, #tpu.memory_space<vmem>>) semaphore(%arg9 : memref<!tpu.dma_semaphore, #tpu.memory_space<semaphore_mem>>)
      %dma_wait3A = arith.constant 0 : i32
      %dma_wait3A_203 = arith.constant 0 : i32
      %dma_wait3A_204 = arith.constant 0 : i32
      %dma_wait3A_205 = arith.constant 0 : i32
      %dma_wait3A_206 = tpu.memref_slice %arg7[%dma_wait3A_203, %dma_wait3A_204, %dma_wait3A_205] : memref<16x200x32xf32, #tpu.memory_space<vmem>> -> memref<1x200x32xf32, #tpu.memory_space<vmem>>
      %dma_wait3A_207 = tpu.memref_squeeze %dma_wait3A_206 : memref<1x200x32xf32, #tpu.memory_space<vmem>> -> memref<200x32xf32, #tpu.memory_space<vmem>>
      %dma_wait3A_208 = arith.constant 0 : i32
      %dma_wait3A_209 = tpu.memref_slice %arg6[%dma_wait3A, %dma_wait3A_208] : memref<16x200xi32, #tpu.memory_space<vmem>> -> memref<1x200xi32, #tpu.memory_space<vmem>>
      %dma_wait3A_210 = tpu.memref_squeeze %dma_wait3A_209 : memref<1x200xi32, #tpu.memory_space<vmem>> -> memref<200xi32, #tpu.memory_space<vmem>>
      %dma_wait3A_211 = arith.constant 0 : i32
      %dma_wait3A_212 = arith.constant 0 : i32
      %dma_wait3A_213 = tpu.memref_slice %arg3[%dma_wait3A_211, %dma_wait3A_212] : memref<1000000x32xf32, #tpu.memory_space<hbm>> -> memref<1000000x32xf32, #tpu.memory_space<hbm>>
      tpu.wait_indirect_dma semaphore(%arg9 : memref<!tpu.dma_semaphore, #tpu.memory_space<semaphore_mem>>) src(%dma_wait3A_213 : memref<1000000x32xf32, #tpu.memory_space<hbm>>) dst(%dma_wait3A_207 : memref<200x32xf32, #tpu.memory_space<vmem>>)
      %dma_wait3A_214 = arith.constant 1 : i32
      %dma_wait3A_215 = arith.constant 1 : i32
      %dma_wait3A_216 = arith.constant 0 : i32
      %dma_wait3A_217 = arith.constant 0 : i32
      %dma_wait3A_218 = tpu.memref_slice %arg7[%dma_wait3A_215, %dma_wait3A_216, %dma_wait3A_217] : memref<16x200x32xf32, #tpu.memory_space<vmem>> -> memref<1x200x32xf32, #tpu.memory_space<vmem>>
      %dma_wait3A_219 = tpu.memref_squeeze %dma_wait3A_218 : memref<1x200x32xf32, #tpu.memory_space<vmem>> -> memref<200x32xf32, #tpu.memory_space<vmem>>
      %dma_wait3A_220 = arith.constant 0 : i32
      %dma_wait3A_221 = tpu.memref_slice %arg6[%dma_wait3A_214, %dma_wait3A_220] : memref<16x200xi32, #tpu.memory_space<vmem>> -> memref<1x200xi32, #tpu.memory_space<vmem>>
      %dma_wait3A_222 = tpu.memref_squeeze %dma_wait3A_221 : memref<1x200xi32, #tpu.memory_space<vmem>> -> memref<200xi32, #tpu.memory_space<vmem>>
      %dma_wait3A_223 = arith.constant 0 : i32
      %dma_wait3A_224 = arith.constant 0 : i32
      %dma_wait3A_225 = tpu.memref_slice %arg3[%dma_wait3A_223, %dma_wait3A_224] : memref<1000000x32xf32, #tpu.memory_space<hbm>> -> memref<1000000x32xf32, #tpu.memory_space<hbm>>
      tpu.wait_indirect_dma semaphore(%arg9 : memref<!tpu.dma_semaphore, #tpu.memory_space<semaphore_mem>>) src(%dma_wait3A_225 : memref<1000000x32xf32, #tpu.memory_space<hbm>>) dst(%dma_wait3A_219 : memref<200x32xf32, #tpu.memory_space<vmem>>)
      %dma_wait3A_226 = arith.constant 2 : i32
      %dma_wait3A_227 = arith.constant 2 : i32
      %dma_wait3A_228 = arith.constant 0 : i32
      %dma_wait3A_229 = arith.constant 0 : i32
      %dma_wait3A_230 = tpu.memref_slice %arg7[%dma_wait3A_227, %dma_wait3A_228, %dma_wait3A_229] : memref<16x200x32xf32, #tpu.memory_space<vmem>> -> memref<1x200x32xf32, #tpu.memory_space<vmem>>
      %dma_wait3A_231 = tpu.memref_squeeze %dma_wait3A_230 : memref<1x200x32xf32, #tpu.memory_space<vmem>> -> memref<200x32xf32, #tpu.memory_space<vmem>>
      %dma_wait3A_232 = arith.constant 0 : i32
      %dma_wait3A_233 = tpu.memref_slice %arg6[%dma_wait3A_226, %dma_wait3A_232] : memref<16x200xi32, #tpu.memory_space<vmem>> -> memref<1x200xi32, #tpu.memory_space<vmem>>
      %dma_wait3A_234 = tpu.memref_squeeze %dma_wait3A_233 : memref<1x200xi32, #tpu.memory_space<vmem>> -> memref<200xi32, #tpu.memory_space<vmem>>
      %dma_wait3A_235 = arith.constant 0 : i32
      %dma_wait3A_236 = arith.constant 0 : i32
      %dma_wait3A_237 = tpu.memref_slice %arg3[%dma_wait3A_235, %dma_wait3A_236] : memref<1000000x32xf32, #tpu.memory_space<hbm>> -> memref<1000000x32xf32, #tpu.memory_space<hbm>>
      tpu.wait_indirect_dma semaphore(%arg9 : memref<!tpu.dma_semaphore, #tpu.memory_space<semaphore_mem>>) src(%dma_wait3A_237 : memref<1000000x32xf32, #tpu.memory_space<hbm>>) dst(%dma_wait3A_231 : memref<200x32xf32, #tpu.memory_space<vmem>>)
      %dma_wait3A_238 = arith.constant 3 : i32
      %dma_wait3A_239 = arith.constant 3 : i32
      %dma_wait3A_240 = arith.constant 0 : i32
      %dma_wait3A_241 = arith.constant 0 : i32
      %dma_wait3A_242 = tpu.memref_slice %arg7[%dma_wait3A_239, %dma_wait3A_240, %dma_wait3A_241] : memref<16x200x32xf32, #tpu.memory_space<vmem>> -> memref<1x200x32xf32, #tpu.memory_space<vmem>>
      %dma_wait3A_243 = tpu.memref_squeeze %dma_wait3A_242 : memref<1x200x32xf32, #tpu.memory_space<vmem>> -> memref<200x32xf32, #tpu.memory_space<vmem>>
      %dma_wait3A_244 = arith.constant 0 : i32
      %dma_wait3A_245 = tpu.memref_slice %arg6[%dma_wait3A_238, %dma_wait3A_244] : memref<16x200xi32, #tpu.memory_space<vmem>> -> memref<1x200xi32, #tpu.memory_space<vmem>>
      %dma_wait3A_246 = tpu.memref_squeeze %dma_wait3A_245 : memref<1x200xi32, #tpu.memory_space<vmem>> -> memref<200xi32, #tpu.memory_space<vmem>>
      %dma_wait3A_247 = arith.constant 0 : i32
      %dma_wait3A_248 = arith.constant 0 : i32
      %dma_wait3A_249 = tpu.memref_slice %arg3[%dma_wait3A_247, %dma_wait3A_248] : memref<1000000x32xf32, #tpu.memory_space<hbm>> -> memref<1000000x32xf32, #tpu.memory_space<hbm>>
      tpu.wait_indirect_dma semaphore(%arg9 : memref<!tpu.dma_semaphore, #tpu.memory_space<semaphore_mem>>) src(%dma_wait3A_249 : memref<1000000x32xf32, #tpu.memory_space<hbm>>) dst(%dma_wait3A_243 : memref<200x32xf32, #tpu.memory_space<vmem>>)
      %dma_wait3A_250 = arith.constant 4 : i32
      %dma_wait3A_251 = arith.constant 4 : i32
      %dma_wait3A_252 = arith.constant 0 : i32
      %dma_wait3A_253 = arith.constant 0 : i32
      %dma_wait3A_254 = tpu.memref_slice %arg7[%dma_wait3A_251, %dma_wait3A_252, %dma_wait3A_253] : memref<16x200x32xf32, #tpu.memory_space<vmem>> -> memref<1x200x32xf32, #tpu.memory_space<vmem>>
      %dma_wait3A_255 = tpu.memref_squeeze %dma_wait3A_254 : memref<1x200x32xf32, #tpu.memory_space<vmem>> -> memref<200x32xf32, #tpu.memory_space<vmem>>
      %dma_wait3A_256 = arith.constant 0 : i32
      %dma_wait3A_257 = tpu.memref_slice %arg6[%dma_wait3A_250, %dma_wait3A_256] : memref<16x200xi32, #tpu.memory_space<vmem>> -> memref<1x200xi32, #tpu.memory_space<vmem>>
      %dma_wait3A_258 = tpu.memref_squeeze %dma_wait3A_257 : memref<1x200xi32, #tpu.memory_space<vmem>> -> memref<200xi32, #tpu.memory_space<vmem>>
      %dma_wait3A_259 = arith.constant 0 : i32
      %dma_wait3A_260 = arith.constant 0 : i32
      %dma_wait3A_261 = tpu.memref_slice %arg3[%dma_wait3A_259, %dma_wait3A_260] : memref<1000000x32xf32, #tpu.memory_space<hbm>> -> memref<1000000x32xf32, #tpu.memory_space<hbm>>
      tpu.wait_indirect_dma semaphore(%arg9 : memref<!tpu.dma_semaphore, #tpu.memory_space<semaphore_mem>>) src(%dma_wait3A_261 : memref<1000000x32xf32, #tpu.memory_space<hbm>>) dst(%dma_wait3A_255 : memref<200x32xf32, #tpu.memory_space<vmem>>)
      %dma_wait3A_262 = arith.constant 5 : i32
      %dma_wait3A_263 = arith.constant 5 : i32
      %dma_wait3A_264 = arith.constant 0 : i32
      %dma_wait3A_265 = arith.constant 0 : i32
      %dma_wait3A_266 = tpu.memref_slice %arg7[%dma_wait3A_263, %dma_wait3A_264, %dma_wait3A_265] : memref<16x200x32xf32, #tpu.memory_space<vmem>> -> memref<1x200x32xf32, #tpu.memory_space<vmem>>
      %dma_wait3A_267 = tpu.memref_squeeze %dma_wait3A_266 : memref<1x200x32xf32, #tpu.memory_space<vmem>> -> memref<200x32xf32, #tpu.memory_space<vmem>>
      %dma_wait3A_268 = arith.constant 0 : i32
      %dma_wait3A_269 = tpu.memref_slice %arg6[%dma_wait3A_262, %dma_wait3A_268] : memref<16x200xi32, #tpu.memory_space<vmem>> -> memref<1x200xi32, #tpu.memory_space<vmem>>
      %dma_wait3A_270 = tpu.memref_squeeze %dma_wait3A_269 : memref<1x200xi32, #tpu.memory_space<vmem>> -> memref<200xi32, #tpu.memory_space<vmem>>
      %dma_wait3A_271 = arith.constant 0 : i32
      %dma_wait3A_272 = arith.constant 0 : i32
      %dma_wait3A_273 = tpu.memref_slice %arg3[%dma_wait3A_271, %dma_wait3A_272] : memref<1000000x32xf32, #tpu.memory_space<hbm>> -> memref<1000000x32xf32, #tpu.memory_space<hbm>>
      tpu.wait_indirect_dma semaphore(%arg9 : memref<!tpu.dma_semaphore, #tpu.memory_space<semaphore_mem>>) src(%dma_wait3A_273 : memref<1000000x32xf32, #tpu.memory_space<hbm>>) dst(%dma_wait3A_267 : memref<200x32xf32, #tpu.memory_space<vmem>>)
      %dma_wait3A_274 = arith.constant 6 : i32
      %dma_wait3A_275 = arith.constant 6 : i32
      %dma_wait3A_276 = arith.constant 0 : i32
      %dma_wait3A_277 = arith.constant 0 : i32
      %dma_wait3A_278 = tpu.memref_slice %arg7[%dma_wait3A_275, %dma_wait3A_276, %dma_wait3A_277] : memref<16x200x32xf32, #tpu.memory_space<vmem>> -> memref<1x200x32xf32, #tpu.memory_space<vmem>>
      %dma_wait3A_279 = tpu.memref_squeeze %dma_wait3A_278 : memref<1x200x32xf32, #tpu.memory_space<vmem>> -> memref<200x32xf32, #tpu.memory_space<vmem>>
      %dma_wait3A_280 = arith.constant 0 : i32
      %dma_wait3A_281 = tpu.memref_slice %arg6[%dma_wait3A_274, %dma_wait3A_280] : memref<16x200xi32, #tpu.memory_space<vmem>> -> memref<1x200xi32, #tpu.memory_space<vmem>>
      %dma_wait3A_282 = tpu.memref_squeeze %dma_wait3A_281 : memref<1x200xi32, #tpu.memory_space<vmem>> -> memref<200xi32, #tpu.memory_space<vmem>>
      %dma_wait3A_283 = arith.constant 0 : i32
      %dma_wait3A_284 = arith.constant 0 : i32
      %dma_wait3A_285 = tpu.memref_slice %arg3[%dma_wait3A_283, %dma_wait3A_284] : memref<1000000x32xf32, #tpu.memory_space<hbm>> -> memref<1000000x32xf32, #tpu.memory_space<hbm>>
      tpu.wait_indirect_dma semaphore(%arg9 : memref<!tpu.dma_semaphore, #tpu.memory_space<semaphore_mem>>) src(%dma_wait3A_285 : memref<1000000x32xf32, #tpu.memory_space<hbm>>) dst(%dma_wait3A_279 : memref<200x32xf32, #tpu.memory_space<vmem>>)
      %dma_wait3A_286 = arith.constant 7 : i32
      %dma_wait3A_287 = arith.constant 7 : i32
      %dma_wait3A_288 = arith.constant 0 : i32
      %dma_wait3A_289 = arith.constant 0 : i32
      %dma_wait3A_290 = tpu.memref_slice %arg7[%dma_wait3A_287, %dma_wait3A_288, %dma_wait3A_289] : memref<16x200x32xf32, #tpu.memory_space<vmem>> -> memref<1x200x32xf32, #tpu.memory_space<vmem>>
      %dma_wait3A_291 = tpu.memref_squeeze %dma_wait3A_290 : memref<1x200x32xf32, #tpu.memory_space<vmem>> -> memref<200x32xf32, #tpu.memory_space<vmem>>
      %dma_wait3A_292 = arith.constant 0 : i32
      %dma_wait3A_293 = tpu.memref_slice %arg6[%dma_wait3A_286, %dma_wait3A_292] : memref<16x200xi32, #tpu.memory_space<vmem>> -> memref<1x200xi32, #tpu.memory_space<vmem>>
      %dma_wait3A_294 = tpu.memref_squeeze %dma_wait3A_293 : memref<1x200xi32, #tpu.memory_space<vmem>> -> memref<200xi32, #tpu.memory_space<vmem>>
      %dma_wait3A_295 = arith.constant 0 : i32
      %dma_wait3A_296 = arith.constant 0 : i32
      %dma_wait3A_297 = tpu.memref_slice %arg3[%dma_wait3A_295, %dma_wait3A_296] : memref<1000000x32xf32, #tpu.memory_space<hbm>> -> memref<1000000x32xf32, #tpu.memory_space<hbm>>
      tpu.wait_indirect_dma semaphore(%arg9 : memref<!tpu.dma_semaphore, #tpu.memory_space<semaphore_mem>>) src(%dma_wait3A_297 : memref<1000000x32xf32, #tpu.memory_space<hbm>>) dst(%dma_wait3A_291 : memref<200x32xf32, #tpu.memory_space<vmem>>)
      %dma_wait3A_298 = arith.constant 8 : i32
      %dma_wait3A_299 = arith.constant 8 : i32
      %dma_wait3A_300 = arith.constant 0 : i32
      %dma_wait3A_301 = arith.constant 0 : i32
      %dma_wait3A_302 = tpu.memref_slice %arg7[%dma_wait3A_299, %dma_wait3A_300, %dma_wait3A_301] : memref<16x200x32xf32, #tpu.memory_space<vmem>> -> memref<1x200x32xf32, #tpu.memory_space<vmem>>
      %dma_wait3A_303 = tpu.memref_squeeze %dma_wait3A_302 : memref<1x200x32xf32, #tpu.memory_space<vmem>> -> memref<200x32xf32, #tpu.memory_space<vmem>>
      %dma_wait3A_304 = arith.constant 0 : i32
      %dma_wait3A_305 = tpu.memref_slice %arg6[%dma_wait3A_298, %dma_wait3A_304] : memref<16x200xi32, #tpu.memory_space<vmem>> -> memref<1x200xi32, #tpu.memory_space<vmem>>
      %dma_wait3A_306 = tpu.memref_squeeze %dma_wait3A_305 : memref<1x200xi32, #tpu.memory_space<vmem>> -> memref<200xi32, #tpu.memory_space<vmem>>
      %dma_wait3A_307 = arith.constant 0 : i32
      %dma_wait3A_308 = arith.constant 0 : i32
      %dma_wait3A_309 = tpu.memref_slice %arg3[%dma_wait3A_307, %dma_wait3A_308] : memref<1000000x32xf32, #tpu.memory_space<hbm>> -> memref<1000000x32xf32, #tpu.memory_space<hbm>>
      tpu.wait_indirect_dma semaphore(%arg9 : memref<!tpu.dma_semaphore, #tpu.memory_space<semaphore_mem>>) src(%dma_wait3A_309 : memref<1000000x32xf32, #tpu.memory_space<hbm>>) dst(%dma_wait3A_303 : memref<200x32xf32, #tpu.memory_space<vmem>>)
      %dma_wait3A_310 = arith.constant 9 : i32
      %dma_wait3A_311 = arith.constant 9 : i32
      %dma_wait3A_312 = arith.constant 0 : i32
      %dma_wait3A_313 = arith.constant 0 : i32
      %dma_wait3A_314 = tpu.memref_slice %arg7[%dma_wait3A_311, %dma_wait3A_312, %dma_wait3A_313] : memref<16x200x32xf32, #tpu.memory_space<vmem>> -> memref<1x200x32xf32, #tpu.memory_space<vmem>>
      %dma_wait3A_315 = tpu.memref_squeeze %dma_wait3A_314 : memref<1x200x32xf32, #tpu.memory_space<vmem>> -> memref<200x32xf32, #tpu.memory_space<vmem>>
      %dma_wait3A_316 = arith.constant 0 : i32
      %dma_wait3A_317 = tpu.memref_slice %arg6[%dma_wait3A_310, %dma_wait3A_316] : memref<16x200xi32, #tpu.memory_space<vmem>> -> memref<1x200xi32, #tpu.memory_space<vmem>>
      %dma_wait3A_318 = tpu.memref_squeeze %dma_wait3A_317 : memref<1x200xi32, #tpu.memory_space<vmem>> -> memref<200xi32, #tpu.memory_space<vmem>>
      %dma_wait3A_319 = arith.constant 0 : i32
      %dma_wait3A_320 = arith.constant 0 : i32
      %dma_wait3A_321 = tpu.memref_slice %arg3[%dma_wait3A_319, %dma_wait3A_320] : memref<1000000x32xf32, #tpu.memory_space<hbm>> -> memref<1000000x32xf32, #tpu.memory_space<hbm>>
      tpu.wait_indirect_dma semaphore(%arg9 : memref<!tpu.dma_semaphore, #tpu.memory_space<semaphore_mem>>) src(%dma_wait3A_321 : memref<1000000x32xf32, #tpu.memory_space<hbm>>) dst(%dma_wait3A_315 : memref<200x32xf32, #tpu.memory_space<vmem>>)
      %dma_wait3A_322 = arith.constant 10 : i32
      %dma_wait3A_323 = arith.constant 10 : i32
      %dma_wait3A_324 = arith.constant 0 : i32
      %dma_wait3A_325 = arith.constant 0 : i32
      %dma_wait3A_326 = tpu.memref_slice %arg7[%dma_wait3A_323, %dma_wait3A_324, %dma_wait3A_325] : memref<16x200x32xf32, #tpu.memory_space<vmem>> -> memref<1x200x32xf32, #tpu.memory_space<vmem>>
      %dma_wait3A_327 = tpu.memref_squeeze %dma_wait3A_326 : memref<1x200x32xf32, #tpu.memory_space<vmem>> -> memref<200x32xf32, #tpu.memory_space<vmem>>
      %dma_wait3A_328 = arith.constant 0 : i32
      %dma_wait3A_329 = tpu.memref_slice %arg6[%dma_wait3A_322, %dma_wait3A_328] : memref<16x200xi32, #tpu.memory_space<vmem>> -> memref<1x200xi32, #tpu.memory_space<vmem>>
      %dma_wait3A_330 = tpu.memref_squeeze %dma_wait3A_329 : memref<1x200xi32, #tpu.memory_space<vmem>> -> memref<200xi32, #tpu.memory_space<vmem>>
      %dma_wait3A_331 = arith.constant 0 : i32
      %dma_wait3A_332 = arith.constant 0 : i32
      %dma_wait3A_333 = tpu.memref_slice %arg3[%dma_wait3A_331, %dma_wait3A_332] : memref<1000000x32xf32, #tpu.memory_space<hbm>> -> memref<1000000x32xf32, #tpu.memory_space<hbm>>
      tpu.wait_indirect_dma semaphore(%arg9 : memref<!tpu.dma_semaphore, #tpu.memory_space<semaphore_mem>>) src(%dma_wait3A_333 : memref<1000000x32xf32, #tpu.memory_space<hbm>>) dst(%dma_wait3A_327 : memref<200x32xf32, #tpu.memory_space<vmem>>)
      %dma_wait3A_334 = arith.constant 11 : i32
      %dma_wait3A_335 = arith.constant 11 : i32
      %dma_wait3A_336 = arith.constant 0 : i32
      %dma_wait3A_337 = arith.constant 0 : i32
      %dma_wait3A_338 = tpu.memref_slice %arg7[%dma_wait3A_335, %dma_wait3A_336, %dma_wait3A_337] : memref<16x200x32xf32, #tpu.memory_space<vmem>> -> memref<1x200x32xf32, #tpu.memory_space<vmem>>
      %dma_wait3A_339 = tpu.memref_squeeze %dma_wait3A_338 : memref<1x200x32xf32, #tpu.memory_space<vmem>> -> memref<200x32xf32, #tpu.memory_space<vmem>>
      %dma_wait3A_340 = arith.constant 0 : i32
      %dma_wait3A_341 = tpu.memref_slice %arg6[%dma_wait3A_334, %dma_wait3A_340] : memref<16x200xi32, #tpu.memory_space<vmem>> -> memref<1x200xi32, #tpu.memory_space<vmem>>
      %dma_wait3A_342 = tpu.memref_squeeze %dma_wait3A_341 : memref<1x200xi32, #tpu.memory_space<vmem>> -> memref<200xi32, #tpu.memory_space<vmem>>
      %dma_wait3A_343 = arith.constant 0 : i32
      %dma_wait3A_344 = arith.constant 0 : i32
      %dma_wait3A_345 = tpu.memref_slice %arg3[%dma_wait3A_343, %dma_wait3A_344] : memref<1000000x32xf32, #tpu.memory_space<hbm>> -> memref<1000000x32xf32, #tpu.memory_space<hbm>>
      tpu.wait_indirect_dma semaphore(%arg9 : memref<!tpu.dma_semaphore, #tpu.memory_space<semaphore_mem>>) src(%dma_wait3A_345 : memref<1000000x32xf32, #tpu.memory_space<hbm>>) dst(%dma_wait3A_339 : memref<200x32xf32, #tpu.memory_space<vmem>>)
      %dma_wait3A_346 = arith.constant 12 : i32
      %dma_wait3A_347 = arith.constant 12 : i32
      %dma_wait3A_348 = arith.constant 0 : i32
      %dma_wait3A_349 = arith.constant 0 : i32
      %dma_wait3A_350 = tpu.memref_slice %arg7[%dma_wait3A_347, %dma_wait3A_348, %dma_wait3A_349] : memref<16x200x32xf32, #tpu.memory_space<vmem>> -> memref<1x200x32xf32, #tpu.memory_space<vmem>>
      %dma_wait3A_351 = tpu.memref_squeeze %dma_wait3A_350 : memref<1x200x32xf32, #tpu.memory_space<vmem>> -> memref<200x32xf32, #tpu.memory_space<vmem>>
      %dma_wait3A_352 = arith.constant 0 : i32
      %dma_wait3A_353 = tpu.memref_slice %arg6[%dma_wait3A_346, %dma_wait3A_352] : memref<16x200xi32, #tpu.memory_space<vmem>> -> memref<1x200xi32, #tpu.memory_space<vmem>>
      %dma_wait3A_354 = tpu.memref_squeeze %dma_wait3A_353 : memref<1x200xi32, #tpu.memory_space<vmem>> -> memref<200xi32, #tpu.memory_space<vmem>>
      %dma_wait3A_355 = arith.constant 0 : i32
      %dma_wait3A_356 = arith.constant 0 : i32
      %dma_wait3A_357 = tpu.memref_slice %arg3[%dma_wait3A_355, %dma_wait3A_356] : memref<1000000x32xf32, #tpu.memory_space<hbm>> -> memref<1000000x32xf32, #tpu.memory_space<hbm>>
      tpu.wait_indirect_dma semaphore(%arg9 : memref<!tpu.dma_semaphore, #tpu.memory_space<semaphore_mem>>) src(%dma_wait3A_357 : memref<1000000x32xf32, #tpu.memory_space<hbm>>) dst(%dma_wait3A_351 : memref<200x32xf32, #tpu.memory_space<vmem>>)
      %dma_wait3A_358 = arith.constant 13 : i32
      %dma_wait3A_359 = arith.constant 13 : i32
      %dma_wait3A_360 = arith.constant 0 : i32
      %dma_wait3A_361 = arith.constant 0 : i32
      %dma_wait3A_362 = tpu.memref_slice %arg7[%dma_wait3A_359, %dma_wait3A_360, %dma_wait3A_361] : memref<16x200x32xf32, #tpu.memory_space<vmem>> -> memref<1x200x32xf32, #tpu.memory_space<vmem>>
      %dma_wait3A_363 = tpu.memref_squeeze %dma_wait3A_362 : memref<1x200x32xf32, #tpu.memory_space<vmem>> -> memref<200x32xf32, #tpu.memory_space<vmem>>
      %dma_wait3A_364 = arith.constant 0 : i32
      %dma_wait3A_365 = tpu.memref_slice %arg6[%dma_wait3A_358, %dma_wait3A_364] : memref<16x200xi32, #tpu.memory_space<vmem>> -> memref<1x200xi32, #tpu.memory_space<vmem>>
      %dma_wait3A_366 = tpu.memref_squeeze %dma_wait3A_365 : memref<1x200xi32, #tpu.memory_space<vmem>> -> memref<200xi32, #tpu.memory_space<vmem>>
      %dma_wait3A_367 = arith.constant 0 : i32
      %dma_wait3A_368 = arith.constant 0 : i32
      %dma_wait3A_369 = tpu.memref_slice %arg3[%dma_wait3A_367, %dma_wait3A_368] : memref<1000000x32xf32, #tpu.memory_space<hbm>> -> memref<1000000x32xf32, #tpu.memory_space<hbm>>
      tpu.wait_indirect_dma semaphore(%arg9 : memref<!tpu.dma_semaphore, #tpu.memory_space<semaphore_mem>>) src(%dma_wait3A_369 : memref<1000000x32xf32, #tpu.memory_space<hbm>>) dst(%dma_wait3A_363 : memref<200x32xf32, #tpu.memory_space<vmem>>)
      %dma_wait3A_370 = arith.constant 14 : i32
      %dma_wait3A_371 = arith.constant 14 : i32
      %dma_wait3A_372 = arith.constant 0 : i32
      %dma_wait3A_373 = arith.constant 0 : i32
      %dma_wait3A_374 = tpu.memref_slice %arg7[%dma_wait3A_371, %dma_wait3A_372, %dma_wait3A_373] : memref<16x200x32xf32, #tpu.memory_space<vmem>> -> memref<1x200x32xf32, #tpu.memory_space<vmem>>
      %dma_wait3A_375 = tpu.memref_squeeze %dma_wait3A_374 : memref<1x200x32xf32, #tpu.memory_space<vmem>> -> memref<200x32xf32, #tpu.memory_space<vmem>>
      %dma_wait3A_376 = arith.constant 0 : i32
      %dma_wait3A_377 = tpu.memref_slice %arg6[%dma_wait3A_370, %dma_wait3A_376] : memref<16x200xi32, #tpu.memory_space<vmem>> -> memref<1x200xi32, #tpu.memory_space<vmem>>
      %dma_wait3A_378 = tpu.memref_squeeze %dma_wait3A_377 : memref<1x200xi32, #tpu.memory_space<vmem>> -> memref<200xi32, #tpu.memory_space<vmem>>
      %dma_wait3A_379 = arith.constant 0 : i32
      %dma_wait3A_380 = arith.constant 0 : i32
      %dma_wait3A_381 = tpu.memref_slice %arg3[%dma_wait3A_379, %dma_wait3A_380] : memref<1000000x32xf32, #tpu.memory_space<hbm>> -> memref<1000000x32xf32, #tpu.memory_space<hbm>>
      tpu.wait_indirect_dma semaphore(%arg9 : memref<!tpu.dma_semaphore, #tpu.memory_space<semaphore_mem>>) src(%dma_wait3A_381 : memref<1000000x32xf32, #tpu.memory_space<hbm>>) dst(%dma_wait3A_375 : memref<200x32xf32, #tpu.memory_space<vmem>>)
      %dma_wait3A_382 = arith.constant 15 : i32
      %dma_wait3A_383 = arith.constant 15 : i32
      %dma_wait3A_384 = arith.constant 0 : i32
      %dma_wait3A_385 = arith.constant 0 : i32
      %dma_wait3A_386 = tpu.memref_slice %arg7[%dma_wait3A_383, %dma_wait3A_384, %dma_wait3A_385] : memref<16x200x32xf32, #tpu.memory_space<vmem>> -> memref<1x200x32xf32, #tpu.memory_space<vmem>>
      %dma_wait3A_387 = tpu.memref_squeeze %dma_wait3A_386 : memref<1x200x32xf32, #tpu.memory_space<vmem>> -> memref<200x32xf32, #tpu.memory_space<vmem>>
      %dma_wait3A_388 = arith.constant 0 : i32
      %dma_wait3A_389 = tpu.memref_slice %arg6[%dma_wait3A_382, %dma_wait3A_388] : memref<16x200xi32, #tpu.memory_space<vmem>> -> memref<1x200xi32, #tpu.memory_space<vmem>>
      %dma_wait3A_390 = tpu.memref_squeeze %dma_wait3A_389 : memref<1x200xi32, #tpu.memory_space<vmem>> -> memref<200xi32, #tpu.memory_space<vmem>>
      %dma_wait3A_391 = arith.constant 0 : i32
      %dma_wait3A_392 = arith.constant 0 : i32
      %dma_wait3A_393 = tpu.memref_slice %arg3[%dma_wait3A_391, %dma_wait3A_392] : memref<1000000x32xf32, #tpu.memory_space<hbm>> -> memref<1000000x32xf32, #tpu.memory_space<hbm>>
      tpu.wait_indirect_dma semaphore(%arg9 : memref<!tpu.dma_semaphore, #tpu.memory_space<semaphore_mem>>) src(%dma_wait3A_393 : memref<1000000x32xf32, #tpu.memory_space<hbm>>) dst(%dma_wait3A_387 : memref<200x32xf32, #tpu.memory_space<vmem>>)
      %scan3A_394 = arith.constant 0 : i32
      %scan3A_395 = arith.constant 200 : i32
      %scan3A_396 = arith.addi %scan3A_394, %scan3A_395 : i32
      %scan3A_397 = arith.constant 1 : i32
      scf.for %scan3A_399 = %scan3A_394 to %scan3A_396 step %scan3A_397  : i32 {
        %get3A = arith.index_cast %scan3A_399 : i32 to index
        %get3A_400 = arith.constant 0 : index
        %get3A_401 = tpu.vector_load %arg8[%get3A, %get3A_400] {strides = array<i32>} : memref<200x32xf32, #tpu.memory_space<vmem>>, vector<1x16xf32>,
        %get3A_402 = vector.shape_cast %get3A_401 : vector<1x16xf32> to vector<16xf32>
        %get3A_403 = arith.index_cast %scan3A_399 : i32 to index
        %get3A_404 = arith.constant 16 : index
        %get3A_405 = tpu.vector_load %arg8[%get3A_403, %get3A_404] {strides = array<i32>} : memref<200x32xf32, #tpu.memory_space<vmem>>, vector<1x16xf32>,
        %get3A_406 = vector.shape_cast %get3A_405 : vector<1x16xf32> to vector<16xf32>
        %get3A_407 = arith.constant 0 : i32
        %get3A_408 = arith.index_cast %get3A_407 : i32 to index
        %get3A_409 = arith.index_cast %scan3A_399 : i32 to index
        %get3A_410 = arith.constant 0 : index
        %get3A_411 = tpu.vector_load %arg7[%get3A_408, %get3A_409, %get3A_410] {strides = array<i32>} : memref<16x200x32xf32, #tpu.memory_space<vmem>>, vector<1x1x16xf32>,
        %get3A_412 = vector.shape_cast %get3A_411 : vector<1x1x16xf32> to vector<16xf32>
        %mul3A_413 = arith.constant 5.65685415 : f32
        %mul3A_414 = vector.broadcast %mul3A_413 : f32 to vector<16xf32>
        %mul3A_415 = arith.mulf %get3A_412, %mul3A_414 : vector<16xf32>
        %add3A_416 = arith.addf %mul3A_415, %get3A_402 : vector<16xf32>
        %swap3A = arith.constant 0 : i32
        %swap3A_417 = arith.index_cast %swap3A : i32 to index
        %swap3A_418 = arith.index_cast %scan3A_399 : i32 to index
        %swap3A_419 = arith.constant 0 : index
        %swap3A_420 = tpu.vector_load %arg7[%swap3A_417, %swap3A_418, %swap3A_419] {strides = array<i32>} : memref<16x200x32xf32, #tpu.memory_space<vmem>>, vector<1x1x16xf32>,
        %swap3A_421 = vector.shape_cast %swap3A_420 : vector<1x1x16xf32> to vector<16xf32>
        %swap3A_422 = vector.shape_cast %add3A_416 : vector<16xf32> to vector<1x1x16xf32>
        tpu.vector_store %arg7[%swap3A_417, %swap3A_418, %swap3A_419], %swap3A_422 {strides = array<i32>} : memref<16x200x32xf32, #tpu.memory_space<vmem>>, vector<1x1x16xf32>,
        %get3A_423 = arith.constant 0 : i32
        %get3A_424 = arith.index_cast %get3A_423 : i32 to index
        %get3A_425 = arith.index_cast %scan3A_399 : i32 to index
        %get3A_426 = arith.constant 16 : index
        %get3A_427 = tpu.vector_load %arg7[%get3A_424, %get3A_425, %get3A_426] {strides = array<i32>} : memref<16x200x32xf32, #tpu.memory_space<vmem>>, vector<1x1x16xf32>,
        %get3A_428 = vector.shape_cast %get3A_427 : vector<1x1x16xf32> to vector<16xf32>
        %mul3A_429 = arith.constant 5.65685415 : f32
        %mul3A_430 = vector.broadcast %mul3A_429 : f32 to vector<16xf32>
        %mul3A_431 = arith.mulf %get3A_428, %mul3A_430 : vector<16xf32>
        %add3A_432 = arith.addf %mul3A_431, %get3A_406 : vector<16xf32>
        %swap3A_433 = arith.constant 0 : i32
        %swap3A_434 = arith.index_cast %swap3A_433 : i32 to index
        %swap3A_435 = arith.index_cast %scan3A_399 : i32 to index
        %swap3A_436 = arith.constant 16 : index
        %swap3A_437 = tpu.vector_load %arg7[%swap3A_434, %swap3A_435, %swap3A_436] {strides = array<i32>} : memref<16x200x32xf32, #tpu.memory_space<vmem>>, vector<1x1x16xf32>,
        %swap3A_438 = vector.shape_cast %swap3A_437 : vector<1x1x16xf32> to vector<16xf32>
        %swap3A_439 = vector.shape_cast %add3A_432 : vector<16xf32> to vector<1x1x16xf32>
        tpu.vector_store %arg7[%swap3A_434, %swap3A_435, %swap3A_436], %swap3A_439 {strides = array<i32>} : memref<16x200x32xf32, #tpu.memory_space<vmem>>, vector<1x1x16xf32>,
        %get3A_440 = arith.constant 1 : i32
        %get3A_441 = arith.index_cast %get3A_440 : i32 to index
        %get3A_442 = arith.index_cast %scan3A_399 : i32 to index
        %get3A_443 = arith.constant 0 : index
        %get3A_444 = tpu.vector_load %arg7[%get3A_441, %get3A_442, %get3A_443] {strides = array<i32>} : memref<16x200x32xf32, #tpu.memory_space<vmem>>, vector<1x1x16xf32>,
        %get3A_445 = vector.shape_cast %get3A_444 : vector<1x1x16xf32> to vector<16xf32>
        %mul3A_446 = arith.constant 5.65685415 : f32
        %mul3A_447 = vector.broadcast %mul3A_446 : f32 to vector<16xf32>
        %mul3A_448 = arith.mulf %get3A_445, %mul3A_447 : vector<16xf32>
        %add3A_449 = arith.addf %mul3A_448, %get3A_402 : vector<16xf32>
        %swap3A_450 = arith.constant 1 : i32
        %swap3A_451 = arith.index_cast %swap3A_450 : i32 to index
        %swap3A_452 = arith.index_cast %scan3A_399 : i32 to index
        %swap3A_453 = arith.constant 0 : index
        %swap3A_454 = tpu.vector_load %arg7[%swap3A_451, %swap3A_452, %swap3A_453] {strides = array<i32>} : memref<16x200x32xf32, #tpu.memory_space<vmem>>, vector<1x1x16xf32>,
        %swap3A_455 = vector.shape_cast %swap3A_454 : vector<1x1x16xf32> to vector<16xf32>
        %swap3A_456 = vector.shape_cast %add3A_449 : vector<16xf32> to vector<1x1x16xf32>
        tpu.vector_store %arg7[%swap3A_451, %swap3A_452, %swap3A_453], %swap3A_456 {strides = array<i32>} : memref<16x200x32xf32, #tpu.memory_space<vmem>>, vector<1x1x16xf32>,
        %get3A_457 = arith.constant 1 : i32
        %get3A_458 = arith.index_cast %get3A_457 : i32 to index
        %get3A_459 = arith.index_cast %scan3A_399 : i32 to index
        %get3A_460 = arith.constant 16 : index
        %get3A_461 = tpu.vector_load %arg7[%get3A_458, %get3A_459, %get3A_460] {strides = array<i32>} : memref<16x200x32xf32, #tpu.memory_space<vmem>>, vector<1x1x16xf32>,
        %get3A_462 = vector.shape_cast %get3A_461 : vector<1x1x16xf32> to vector<16xf32>
        %mul3A_463 = arith.constant 5.65685415 : f32
        %mul3A_464 = vector.broadcast %mul3A_463 : f32 to vector<16xf32>
        %mul3A_465 = arith.mulf %get3A_462, %mul3A_464 : vector<16xf32>
        %add3A_466 = arith.addf %mul3A_465, %get3A_406 : vector<16xf32>
        %swap3A_467 = arith.constant 1 : i32
        %swap3A_468 = arith.index_cast %swap3A_467 : i32 to index
        %swap3A_469 = arith.index_cast %scan3A_399 : i32 to index
        %swap3A_470 = arith.constant 16 : index
        %swap3A_471 = tpu.vector_load %arg7[%swap3A_468, %swap3A_469, %swap3A_470] {strides = array<i32>} : memref<16x200x32xf32, #tpu.memory_space<vmem>>, vector<1x1x16xf32>,
        %swap3A_472 = vector.shape_cast %swap3A_471 : vector<1x1x16xf32> to vector<16xf32>
        %swap3A_473 = vector.shape_cast %add3A_466 : vector<16xf32> to vector<1x1x16xf32>
        tpu.vector_store %arg7[%swap3A_468, %swap3A_469, %swap3A_470], %swap3A_473 {strides = array<i32>} : memref<16x200x32xf32, #tpu.memory_space<vmem>>, vector<1x1x16xf32>,
        %get3A_474 = arith.constant 2 : i32
        %get3A_475 = arith.index_cast %get3A_474 : i32 to index
        %get3A_476 = arith.index_cast %scan3A_399 : i32 to index
        %get3A_477 = arith.constant 0 : index
        %get3A_478 = tpu.vector_load %arg7[%get3A_475, %get3A_476, %get3A_477] {strides = array<i32>} : memref<16x200x32xf32, #tpu.memory_space<vmem>>, vector<1x1x16xf32>,
        %get3A_479 = vector.shape_cast %get3A_478 : vector<1x1x16xf32> to vector<16xf32>
        %mul3A_480 = arith.constant 5.65685415 : f32
        %mul3A_481 = vector.broadcast %mul3A_480 : f32 to vector<16xf32>
        %mul3A_482 = arith.mulf %get3A_479, %mul3A_481 : vector<16xf32>
        %add3A_483 = arith.addf %mul3A_482, %get3A_402 : vector<16xf32>
        %swap3A_484 = arith.constant 2 : i32
        %swap3A_485 = arith.index_cast %swap3A_484 : i32 to index
        %swap3A_486 = arith.index_cast %scan3A_399 : i32 to index
        %swap3A_487 = arith.constant 0 : index
        %swap3A_488 = tpu.vector_load %arg7[%swap3A_485, %swap3A_486, %swap3A_487] {strides = array<i32>} : memref<16x200x32xf32, #tpu.memory_space<vmem>>, vector<1x1x16xf32>,
        %swap3A_489 = vector.shape_cast %swap3A_488 : vector<1x1x16xf32> to vector<16xf32>
        %swap3A_490 = vector.shape_cast %add3A_483 : vector<16xf32> to vector<1x1x16xf32>
        tpu.vector_store %arg7[%swap3A_485, %swap3A_486, %swap3A_487], %swap3A_490 {strides = array<i32>} : memref<16x200x32xf32, #tpu.memory_space<vmem>>, vector<1x1x16xf32>,
        %get3A_491 = arith.constant 2 : i32
        %get3A_492 = arith.index_cast %get3A_491 : i32 to index
        %get3A_493 = arith.index_cast %scan3A_399 : i32 to index
        %get3A_494 = arith.constant 16 : index
        %get3A_495 = tpu.vector_load %arg7[%get3A_492, %get3A_493, %get3A_494] {strides = array<i32>} : memref<16x200x32xf32, #tpu.memory_space<vmem>>, vector<1x1x16xf32>,
        %get3A_496 = vector.shape_cast %get3A_495 : vector<1x1x16xf32> to vector<16xf32>
        %mul3A_497 = arith.constant 5.65685415 : f32
        %mul3A_498 = vector.broadcast %mul3A_497 : f32 to vector<16xf32>
        %mul3A_499 = arith.mulf %get3A_496, %mul3A_498 : vector<16xf32>
        %add3A_500 = arith.addf %mul3A_499, %get3A_406 : vector<16xf32>
        %swap3A_501 = arith.constant 2 : i32
        %swap3A_502 = arith.index_cast %swap3A_501 : i32 to index
        %swap3A_503 = arith.index_cast %scan3A_399 : i32 to index
        %swap3A_504 = arith.constant 16 : index
        %swap3A_505 = tpu.vector_load %arg7[%swap3A_502, %swap3A_503, %swap3A_504] {strides = array<i32>} : memref<16x200x32xf32, #tpu.memory_space<vmem>>, vector<1x1x16xf32>,
        %swap3A_506 = vector.shape_cast %swap3A_505 : vector<1x1x16xf32> to vector<16xf32>
        %swap3A_507 = vector.shape_cast %add3A_500 : vector<16xf32> to vector<1x1x16xf32>
        tpu.vector_store %arg7[%swap3A_502, %swap3A_503, %swap3A_504], %swap3A_507 {strides = array<i32>} : memref<16x200x32xf32, #tpu.memory_space<vmem>>, vector<1x1x16xf32>,
        %get3A_508 = arith.constant 3 : i32
        %get3A_509 = arith.index_cast %get3A_508 : i32 to index
        %get3A_510 = arith.index_cast %scan3A_399 : i32 to index
        %get3A_511 = arith.constant 0 : index
        %get3A_512 = tpu.vector_load %arg7[%get3A_509, %get3A_510, %get3A_511] {strides = array<i32>} : memref<16x200x32xf32, #tpu.memory_space<vmem>>, vector<1x1x16xf32>,
        %get3A_513 = vector.shape_cast %get3A_512 : vector<1x1x16xf32> to vector<16xf32>
        %mul3A_514 = arith.constant 5.65685415 : f32
        %mul3A_515 = vector.broadcast %mul3A_514 : f32 to vector<16xf32>
        %mul3A_516 = arith.mulf %get3A_513, %mul3A_515 : vector<16xf32>
        %add3A_517 = arith.addf %mul3A_516, %get3A_402 : vector<16xf32>
        %swap3A_518 = arith.constant 3 : i32
        %swap3A_519 = arith.index_cast %swap3A_518 : i32 to index
        %swap3A_520 = arith.index_cast %scan3A_399 : i32 to index
        %swap3A_521 = arith.constant 0 : index
        %swap3A_522 = tpu.vector_load %arg7[%swap3A_519, %swap3A_520, %swap3A_521] {strides = array<i32>} : memref<16x200x32xf32, #tpu.memory_space<vmem>>, vector<1x1x16xf32>,
        %swap3A_523 = vector.shape_cast %swap3A_522 : vector<1x1x16xf32> to vector<16xf32>
        %swap3A_524 = vector.shape_cast %add3A_517 : vector<16xf32> to vector<1x1x16xf32>
        tpu.vector_store %arg7[%swap3A_519, %swap3A_520, %swap3A_521], %swap3A_524 {strides = array<i32>} : memref<16x200x32xf32, #tpu.memory_space<vmem>>, vector<1x1x16xf32>,
        %get3A_525 = arith.constant 3 : i32
        %get3A_526 = arith.index_cast %get3A_525 : i32 to index
        %get3A_527 = arith.index_cast %scan3A_399 : i32 to index
        %get3A_528 = arith.constant 16 : index
        %get3A_529 = tpu.vector_load %arg7[%get3A_526, %get3A_527, %get3A_528] {strides = array<i32>} : memref<16x200x32xf32, #tpu.memory_space<vmem>>, vector<1x1x16xf32>,
        %get3A_530 = vector.shape_cast %get3A_529 : vector<1x1x16xf32> to vector<16xf32>
        %mul3A_531 = arith.constant 5.65685415 : f32
        %mul3A_532 = vector.broadcast %mul3A_531 : f32 to vector<16xf32>
        %mul3A_533 = arith.mulf %get3A_530, %mul3A_532 : vector<16xf32>
        %add3A_534 = arith.addf %mul3A_533, %get3A_406 : vector<16xf32>
        %swap3A_535 = arith.constant 3 : i32
        %swap3A_536 = arith.index_cast %swap3A_535 : i32 to index
        %swap3A_537 = arith.index_cast %scan3A_399 : i32 to index
        %swap3A_538 = arith.constant 16 : index
        %swap3A_539 = tpu.vector_load %arg7[%swap3A_536, %swap3A_537, %swap3A_538] {strides = array<i32>} : memref<16x200x32xf32, #tpu.memory_space<vmem>>, vector<1x1x16xf32>,
        %swap3A_540 = vector.shape_cast %swap3A_539 : vector<1x1x16xf32> to vector<16xf32>
        %swap3A_541 = vector.shape_cast %add3A_534 : vector<16xf32> to vector<1x1x16xf32>
        tpu.vector_store %arg7[%swap3A_536, %swap3A_537, %swap3A_538], %swap3A_541 {strides = array<i32>} : memref<16x200x32xf32, #tpu.memory_space<vmem>>, vector<1x1x16xf32>,
        %get3A_542 = arith.constant 4 : i32
        %get3A_543 = arith.index_cast %get3A_542 : i32 to index
        %get3A_544 = arith.index_cast %scan3A_399 : i32 to index
        %get3A_545 = arith.constant 0 : index
        %get3A_546 = tpu.vector_load %arg7[%get3A_543, %get3A_544, %get3A_545] {strides = array<i32>} : memref<16x200x32xf32, #tpu.memory_space<vmem>>, vector<1x1x16xf32>,
        %get3A_547 = vector.shape_cast %get3A_546 : vector<1x1x16xf32> to vector<16xf32>
        %mul3A_548 = arith.constant 5.65685415 : f32
        %mul3A_549 = vector.broadcast %mul3A_548 : f32 to vector<16xf32>
        %mul3A_550 = arith.mulf %get3A_547, %mul3A_549 : vector<16xf32>
        %add3A_551 = arith.addf %mul3A_550, %get3A_402 : vector<16xf32>
        %swap3A_552 = arith.constant 4 : i32
        %swap3A_553 = arith.index_cast %swap3A_552 : i32 to index
        %swap3A_554 = arith.index_cast %scan3A_399 : i32 to index
        %swap3A_555 = arith.constant 0 : index
        %swap3A_556 = tpu.vector_load %arg7[%swap3A_553, %swap3A_554, %swap3A_555] {strides = array<i32>} : memref<16x200x32xf32, #tpu.memory_space<vmem>>, vector<1x1x16xf32>,
        %swap3A_557 = vector.shape_cast %swap3A_556 : vector<1x1x16xf32> to vector<16xf32>
        %swap3A_558 = vector.shape_cast %add3A_551 : vector<16xf32> to vector<1x1x16xf32>
        tpu.vector_store %arg7[%swap3A_553, %swap3A_554, %swap3A_555], %swap3A_558 {strides = array<i32>} : memref<16x200x32xf32, #tpu.memory_space<vmem>>, vector<1x1x16xf32>,
        %get3A_559 = arith.constant 4 : i32
        %get3A_560 = arith.index_cast %get3A_559 : i32 to index
        %get3A_561 = arith.index_cast %scan3A_399 : i32 to index
        %get3A_562 = arith.constant 16 : index
        %get3A_563 = tpu.vector_load %arg7[%get3A_560, %get3A_561, %get3A_562] {strides = array<i32>} : memref<16x200x32xf32, #tpu.memory_space<vmem>>, vector<1x1x16xf32>,
        %get3A_564 = vector.shape_cast %get3A_563 : vector<1x1x16xf32> to vector<16xf32>
        %mul3A_565 = arith.constant 5.65685415 : f32
        %mul3A_566 = vector.broadcast %mul3A_565 : f32 to vector<16xf32>
        %mul3A_567 = arith.mulf %get3A_564, %mul3A_566 : vector<16xf32>
        %add3A_568 = arith.addf %mul3A_567, %get3A_406 : vector<16xf32>
        %swap3A_569 = arith.constant 4 : i32
        %swap3A_570 = arith.index_cast %swap3A_569 : i32 to index
        %swap3A_571 = arith.index_cast %scan3A_399 : i32 to index
        %swap3A_572 = arith.constant 16 : index
        %swap3A_573 = tpu.vector_load %arg7[%swap3A_570, %swap3A_571, %swap3A_572] {strides = array<i32>} : memref<16x200x32xf32, #tpu.memory_space<vmem>>, vector<1x1x16xf32>,
        %swap3A_574 = vector.shape_cast %swap3A_573 : vector<1x1x16xf32> to vector<16xf32>
        %swap3A_575 = vector.shape_cast %add3A_568 : vector<16xf32> to vector<1x1x16xf32>
        tpu.vector_store %arg7[%swap3A_570, %swap3A_571, %swap3A_572], %swap3A_575 {strides = array<i32>} : memref<16x200x32xf32, #tpu.memory_space<vmem>>, vector<1x1x16xf32>,
        %get3A_576 = arith.constant 5 : i32
        %get3A_577 = arith.index_cast %get3A_576 : i32 to index
        %get3A_578 = arith.index_cast %scan3A_399 : i32 to index
        %get3A_579 = arith.constant 0 : index
        %get3A_580 = tpu.vector_load %arg7[%get3A_577, %get3A_578, %get3A_579] {strides = array<i32>} : memref<16x200x32xf32, #tpu.memory_space<vmem>>, vector<1x1x16xf32>,
        %get3A_581 = vector.shape_cast %get3A_580 : vector<1x1x16xf32> to vector<16xf32>
        %mul3A_582 = arith.constant 5.65685415 : f32
        %mul3A_583 = vector.broadcast %mul3A_582 : f32 to vector<16xf32>
        %mul3A_584 = arith.mulf %get3A_581, %mul3A_583 : vector<16xf32>
        %add3A_585 = arith.addf %mul3A_584, %get3A_402 : vector<16xf32>
        %swap3A_586 = arith.constant 5 : i32
        %swap3A_587 = arith.index_cast %swap3A_586 : i32 to index
        %swap3A_588 = arith.index_cast %scan3A_399 : i32 to index
        %swap3A_589 = arith.constant 0 : index
        %swap3A_590 = tpu.vector_load %arg7[%swap3A_587, %swap3A_588, %swap3A_589] {strides = array<i32>} : memref<16x200x32xf32, #tpu.memory_space<vmem>>, vector<1x1x16xf32>,
        %swap3A_591 = vector.shape_cast %swap3A_590 : vector<1x1x16xf32> to vector<16xf32>
        %swap3A_592 = vector.shape_cast %add3A_585 : vector<16xf32> to vector<1x1x16xf32>
        tpu.vector_store %arg7[%swap3A_587, %swap3A_588, %swap3A_589], %swap3A_592 {strides = array<i32>} : memref<16x200x32xf32, #tpu.memory_space<vmem>>, vector<1x1x16xf32>,
        %get3A_593 = arith.constant 5 : i32
        %get3A_594 = arith.index_cast %get3A_593 : i32 to index
        %get3A_595 = arith.index_cast %scan3A_399 : i32 to index
        %get3A_596 = arith.constant 16 : index
        %get3A_597 = tpu.vector_load %arg7[%get3A_594, %get3A_595, %get3A_596] {strides = array<i32>} : memref<16x200x32xf32, #tpu.memory_space<vmem>>, vector<1x1x16xf32>,
        %get3A_598 = vector.shape_cast %get3A_597 : vector<1x1x16xf32> to vector<16xf32>
        %mul3A_599 = arith.constant 5.65685415 : f32
        %mul3A_600 = vector.broadcast %mul3A_599 : f32 to vector<16xf32>
        %mul3A_601 = arith.mulf %get3A_598, %mul3A_600 : vector<16xf32>
        %add3A_602 = arith.addf %mul3A_601, %get3A_406 : vector<16xf32>
        %swap3A_603 = arith.constant 5 : i32
        %swap3A_604 = arith.index_cast %swap3A_603 : i32 to index
        %swap3A_605 = arith.index_cast %scan3A_399 : i32 to index
        %swap3A_606 = arith.constant 16 : index
        %swap3A_607 = tpu.vector_load %arg7[%swap3A_604, %swap3A_605, %swap3A_606] {strides = array<i32>} : memref<16x200x32xf32, #tpu.memory_space<vmem>>, vector<1x1x16xf32>,
        %swap3A_608 = vector.shape_cast %swap3A_607 : vector<1x1x16xf32> to vector<16xf32>
        %swap3A_609 = vector.shape_cast %add3A_602 : vector<16xf32> to vector<1x1x16xf32>
        tpu.vector_store %arg7[%swap3A_604, %swap3A_605, %swap3A_606], %swap3A_609 {strides = array<i32>} : memref<16x200x32xf32, #tpu.memory_space<vmem>>, vector<1x1x16xf32>,
        %get3A_610 = arith.constant 6 : i32
        %get3A_611 = arith.index_cast %get3A_610 : i32 to index
        %get3A_612 = arith.index_cast %scan3A_399 : i32 to index
        %get3A_613 = arith.constant 0 : index
        %get3A_614 = tpu.vector_load %arg7[%get3A_611, %get3A_612, %get3A_613] {strides = array<i32>} : memref<16x200x32xf32, #tpu.memory_space<vmem>>, vector<1x1x16xf32>,
        %get3A_615 = vector.shape_cast %get3A_614 : vector<1x1x16xf32> to vector<16xf32>
        %mul3A_616 = arith.constant 5.65685415 : f32
        %mul3A_617 = vector.broadcast %mul3A_616 : f32 to vector<16xf32>
        %mul3A_618 = arith.mulf %get3A_615, %mul3A_617 : vector<16xf32>
        %add3A_619 = arith.addf %mul3A_618, %get3A_402 : vector<16xf32>
        %swap3A_620 = arith.constant 6 : i32
        %swap3A_621 = arith.index_cast %swap3A_620 : i32 to index
        %swap3A_622 = arith.index_cast %scan3A_399 : i32 to index
        %swap3A_623 = arith.constant 0 : index
        %swap3A_624 = tpu.vector_load %arg7[%swap3A_621, %swap3A_622, %swap3A_623] {strides = array<i32>} : memref<16x200x32xf32, #tpu.memory_space<vmem>>, vector<1x1x16xf32>,
        %swap3A_625 = vector.shape_cast %swap3A_624 : vector<1x1x16xf32> to vector<16xf32>
        %swap3A_626 = vector.shape_cast %add3A_619 : vector<16xf32> to vector<1x1x16xf32>
        tpu.vector_store %arg7[%swap3A_621, %swap3A_622, %swap3A_623], %swap3A_626 {strides = array<i32>} : memref<16x200x32xf32, #tpu.memory_space<vmem>>, vector<1x1x16xf32>,
        %get3A_627 = arith.constant 6 : i32
        %get3A_628 = arith.index_cast %get3A_627 : i32 to index
        %get3A_629 = arith.index_cast %scan3A_399 : i32 to index
        %get3A_630 = arith.constant 16 : index
        %get3A_631 = tpu.vector_load %arg7[%get3A_628, %get3A_629, %get3A_630] {strides = array<i32>} : memref<16x200x32xf32, #tpu.memory_space<vmem>>, vector<1x1x16xf32>,
        %get3A_632 = vector.shape_cast %get3A_631 : vector<1x1x16xf32> to vector<16xf32>
        %mul3A_633 = arith.constant 5.65685415 : f32
        %mul3A_634 = vector.broadcast %mul3A_633 : f32 to vector<16xf32>
        %mul3A_635 = arith.mulf %get3A_632, %mul3A_634 : vector<16xf32>
        %add3A_636 = arith.addf %mul3A_635, %get3A_406 : vector<16xf32>
        %swap3A_637 = arith.constant 6 : i32
        %swap3A_638 = arith.index_cast %swap3A_637 : i32 to index
        %swap3A_639 = arith.index_cast %scan3A_399 : i32 to index
        %swap3A_640 = arith.constant 16 : index
        %swap3A_641 = tpu.vector_load %arg7[%swap3A_638, %swap3A_639, %swap3A_640] {strides = array<i32>} : memref<16x200x32xf32, #tpu.memory_space<vmem>>, vector<1x1x16xf32>,
        %swap3A_642 = vector.shape_cast %swap3A_641 : vector<1x1x16xf32> to vector<16xf32>
        %swap3A_643 = vector.shape_cast %add3A_636 : vector<16xf32> to vector<1x1x16xf32>
        tpu.vector_store %arg7[%swap3A_638, %swap3A_639, %swap3A_640], %swap3A_643 {strides = array<i32>} : memref<16x200x32xf32, #tpu.memory_space<vmem>>, vector<1x1x16xf32>,
        %get3A_644 = arith.constant 7 : i32
        %get3A_645 = arith.index_cast %get3A_644 : i32 to index
        %get3A_646 = arith.index_cast %scan3A_399 : i32 to index
        %get3A_647 = arith.constant 0 : index
        %get3A_648 = tpu.vector_load %arg7[%get3A_645, %get3A_646, %get3A_647] {strides = array<i32>} : memref<16x200x32xf32, #tpu.memory_space<vmem>>, vector<1x1x16xf32>,
        %get3A_649 = vector.shape_cast %get3A_648 : vector<1x1x16xf32> to vector<16xf32>
        %mul3A_650 = arith.constant 5.65685415 : f32
        %mul3A_651 = vector.broadcast %mul3A_650 : f32 to vector<16xf32>
        %mul3A_652 = arith.mulf %get3A_649, %mul3A_651 : vector<16xf32>
        %add3A_653 = arith.addf %mul3A_652, %get3A_402 : vector<16xf32>
        %swap3A_654 = arith.constant 7 : i32
        %swap3A_655 = arith.index_cast %swap3A_654 : i32 to index
        %swap3A_656 = arith.index_cast %scan3A_399 : i32 to index
        %swap3A_657 = arith.constant 0 : index
        %swap3A_658 = tpu.vector_load %arg7[%swap3A_655, %swap3A_656, %swap3A_657] {strides = array<i32>} : memref<16x200x32xf32, #tpu.memory_space<vmem>>, vector<1x1x16xf32>,
        %swap3A_659 = vector.shape_cast %swap3A_658 : vector<1x1x16xf32> to vector<16xf32>
        %swap3A_660 = vector.shape_cast %add3A_653 : vector<16xf32> to vector<1x1x16xf32>
        tpu.vector_store %arg7[%swap3A_655, %swap3A_656, %swap3A_657], %swap3A_660 {strides = array<i32>} : memref<16x200x32xf32, #tpu.memory_space<vmem>>, vector<1x1x16xf32>,
        %get3A_661 = arith.constant 7 : i32
        %get3A_662 = arith.index_cast %get3A_661 : i32 to index
        %get3A_663 = arith.index_cast %scan3A_399 : i32 to index
        %get3A_664 = arith.constant 16 : index
        %get3A_665 = tpu.vector_load %arg7[%get3A_662, %get3A_663, %get3A_664] {strides = array<i32>} : memref<16x200x32xf32, #tpu.memory_space<vmem>>, vector<1x1x16xf32>,
        %get3A_666 = vector.shape_cast %get3A_665 : vector<1x1x16xf32> to vector<16xf32>
        %mul3A_667 = arith.constant 5.65685415 : f32
        %mul3A_668 = vector.broadcast %mul3A_667 : f32 to vector<16xf32>
        %mul3A_669 = arith.mulf %get3A_666, %mul3A_668 : vector<16xf32>
        %add3A_670 = arith.addf %mul3A_669, %get3A_406 : vector<16xf32>
        %swap3A_671 = arith.constant 7 : i32
        %swap3A_672 = arith.index_cast %swap3A_671 : i32 to index
        %swap3A_673 = arith.index_cast %scan3A_399 : i32 to index
        %swap3A_674 = arith.constant 16 : index
        %swap3A_675 = tpu.vector_load %arg7[%swap3A_672, %swap3A_673, %swap3A_674] {strides = array<i32>} : memref<16x200x32xf32, #tpu.memory_space<vmem>>, vector<1x1x16xf32>,
        %swap3A_676 = vector.shape_cast %swap3A_675 : vector<1x1x16xf32> to vector<16xf32>
        %swap3A_677 = vector.shape_cast %add3A_670 : vector<16xf32> to vector<1x1x16xf32>
        tpu.vector_store %arg7[%swap3A_672, %swap3A_673, %swap3A_674], %swap3A_677 {strides = array<i32>} : memref<16x200x32xf32, #tpu.memory_space<vmem>>, vector<1x1x16xf32>,
        %get3A_678 = arith.constant 8 : i32
        %get3A_679 = arith.index_cast %get3A_678 : i32 to index
        %get3A_680 = arith.index_cast %scan3A_399 : i32 to index
        %get3A_681 = arith.constant 0 : index
        %get3A_682 = tpu.vector_load %arg7[%get3A_679, %get3A_680, %get3A_681] {strides = array<i32>} : memref<16x200x32xf32, #tpu.memory_space<vmem>>, vector<1x1x16xf32>,
        %get3A_683 = vector.shape_cast %get3A_682 : vector<1x1x16xf32> to vector<16xf32>
        %mul3A_684 = arith.constant 5.65685415 : f32
        %mul3A_685 = vector.broadcast %mul3A_684 : f32 to vector<16xf32>
        %mul3A_686 = arith.mulf %get3A_683, %mul3A_685 : vector<16xf32>
        %add3A_687 = arith.addf %mul3A_686, %get3A_402 : vector<16xf32>
        %swap3A_688 = arith.constant 8 : i32
        %swap3A_689 = arith.index_cast %swap3A_688 : i32 to index
        %swap3A_690 = arith.index_cast %scan3A_399 : i32 to index
        %swap3A_691 = arith.constant 0 : index
        %swap3A_692 = tpu.vector_load %arg7[%swap3A_689, %swap3A_690, %swap3A_691] {strides = array<i32>} : memref<16x200x32xf32, #tpu.memory_space<vmem>>, vector<1x1x16xf32>,
        %swap3A_693 = vector.shape_cast %swap3A_692 : vector<1x1x16xf32> to vector<16xf32>
        %swap3A_694 = vector.shape_cast %add3A_687 : vector<16xf32> to vector<1x1x16xf32>
        tpu.vector_store %arg7[%swap3A_689, %swap3A_690, %swap3A_691], %swap3A_694 {strides = array<i32>} : memref<16x200x32xf32, #tpu.memory_space<vmem>>, vector<1x1x16xf32>,
        %get3A_695 = arith.constant 8 : i32
        %get3A_696 = arith.index_cast %get3A_695 : i32 to index
        %get3A_697 = arith.index_cast %scan3A_399 : i32 to index
        %get3A_698 = arith.constant 16 : index
        %get3A_699 = tpu.vector_load %arg7[%get3A_696, %get3A_697, %get3A_698] {strides = array<i32>} : memref<16x200x32xf32, #tpu.memory_space<vmem>>, vector<1x1x16xf32>,
        %get3A_700 = vector.shape_cast %get3A_699 : vector<1x1x16xf32> to vector<16xf32>
        %mul3A_701 = arith.constant 5.65685415 : f32
        %mul3A_702 = vector.broadcast %mul3A_701 : f32 to vector<16xf32>
        %mul3A_703 = arith.mulf %get3A_700, %mul3A_702 : vector<16xf32>
        %add3A_704 = arith.addf %mul3A_703, %get3A_406 : vector<16xf32>
        %swap3A_705 = arith.constant 8 : i32
        %swap3A_706 = arith.index_cast %swap3A_705 : i32 to index
        %swap3A_707 = arith.index_cast %scan3A_399 : i32 to index
        %swap3A_708 = arith.constant 16 : index
        %swap3A_709 = tpu.vector_load %arg7[%swap3A_706, %swap3A_707, %swap3A_708] {strides = array<i32>} : memref<16x200x32xf32, #tpu.memory_space<vmem>>, vector<1x1x16xf32>,
        %swap3A_710 = vector.shape_cast %swap3A_709 : vector<1x1x16xf32> to vector<16xf32>
        %swap3A_711 = vector.shape_cast %add3A_704 : vector<16xf32> to vector<1x1x16xf32>
        tpu.vector_store %arg7[%swap3A_706, %swap3A_707, %swap3A_708], %swap3A_711 {strides = array<i32>} : memref<16x200x32xf32, #tpu.memory_space<vmem>>, vector<1x1x16xf32>,
        %get3A_712 = arith.constant 9 : i32
        %get3A_713 = arith.index_cast %get3A_712 : i32 to index
        %get3A_714 = arith.index_cast %scan3A_399 : i32 to index
        %get3A_715 = arith.constant 0 : index
        %get3A_716 = tpu.vector_load %arg7[%get3A_713, %get3A_714, %get3A_715] {strides = array<i32>} : memref<16x200x32xf32, #tpu.memory_space<vmem>>, vector<1x1x16xf32>,
        %get3A_717 = vector.shape_cast %get3A_716 : vector<1x1x16xf32> to vector<16xf32>
        %mul3A_718 = arith.constant 5.65685415 : f32
        %mul3A_719 = vector.broadcast %mul3A_718 : f32 to vector<16xf32>
        %mul3A_720 = arith.mulf %get3A_717, %mul3A_719 : vector<16xf32>
        %add3A_721 = arith.addf %mul3A_720, %get3A_402 : vector<16xf32>
        %swap3A_722 = arith.constant 9 : i32
        %swap3A_723 = arith.index_cast %swap3A_722 : i32 to index
        %swap3A_724 = arith.index_cast %scan3A_399 : i32 to index
        %swap3A_725 = arith.constant 0 : index
        %swap3A_726 = tpu.vector_load %arg7[%swap3A_723, %swap3A_724, %swap3A_725] {strides = array<i32>} : memref<16x200x32xf32, #tpu.memory_space<vmem>>, vector<1x1x16xf32>,
        %swap3A_727 = vector.shape_cast %swap3A_726 : vector<1x1x16xf32> to vector<16xf32>
        %swap3A_728 = vector.shape_cast %add3A_721 : vector<16xf32> to vector<1x1x16xf32>
        tpu.vector_store %arg7[%swap3A_723, %swap3A_724, %swap3A_725], %swap3A_728 {strides = array<i32>} : memref<16x200x32xf32, #tpu.memory_space<vmem>>, vector<1x1x16xf32>,
        %get3A_729 = arith.constant 9 : i32
        %get3A_730 = arith.index_cast %get3A_729 : i32 to index
        %get3A_731 = arith.index_cast %scan3A_399 : i32 to index
        %get3A_732 = arith.constant 16 : index
        %get3A_733 = tpu.vector_load %arg7[%get3A_730, %get3A_731, %get3A_732] {strides = array<i32>} : memref<16x200x32xf32, #tpu.memory_space<vmem>>, vector<1x1x16xf32>,
        %get3A_734 = vector.shape_cast %get3A_733 : vector<1x1x16xf32> to vector<16xf32>
        %mul3A_735 = arith.constant 5.65685415 : f32
        %mul3A_736 = vector.broadcast %mul3A_735 : f32 to vector<16xf32>
        %mul3A_737 = arith.mulf %get3A_734, %mul3A_736 : vector<16xf32>
        %add3A_738 = arith.addf %mul3A_737, %get3A_406 : vector<16xf32>
        %swap3A_739 = arith.constant 9 : i32
        %swap3A_740 = arith.index_cast %swap3A_739 : i32 to index
        %swap3A_741 = arith.index_cast %scan3A_399 : i32 to index
        %swap3A_742 = arith.constant 16 : index
        %swap3A_743 = tpu.vector_load %arg7[%swap3A_740, %swap3A_741, %swap3A_742] {strides = array<i32>} : memref<16x200x32xf32, #tpu.memory_space<vmem>>, vector<1x1x16xf32>,
        %swap3A_744 = vector.shape_cast %swap3A_743 : vector<1x1x16xf32> to vector<16xf32>
        %swap3A_745 = vector.shape_cast %add3A_738 : vector<16xf32> to vector<1x1x16xf32>
        tpu.vector_store %arg7[%swap3A_740, %swap3A_741, %swap3A_742], %swap3A_745 {strides = array<i32>} : memref<16x200x32xf32, #tpu.memory_space<vmem>>, vector<1x1x16xf32>,
        %get3A_746 = arith.constant 10 : i32
        %get3A_747 = arith.index_cast %get3A_746 : i32 to index
        %get3A_748 = arith.index_cast %scan3A_399 : i32 to index
        %get3A_749 = arith.constant 0 : index
        %get3A_750 = tpu.vector_load %arg7[%get3A_747, %get3A_748, %get3A_749] {strides = array<i32>} : memref<16x200x32xf32, #tpu.memory_space<vmem>>, vector<1x1x16xf32>,
        %get3A_751 = vector.shape_cast %get3A_750 : vector<1x1x16xf32> to vector<16xf32>
        %mul3A_752 = arith.constant 5.65685415 : f32
        %mul3A_753 = vector.broadcast %mul3A_752 : f32 to vector<16xf32>
        %mul3A_754 = arith.mulf %get3A_751, %mul3A_753 : vector<16xf32>
        %add3A_755 = arith.addf %mul3A_754, %get3A_402 : vector<16xf32>
        %swap3A_756 = arith.constant 10 : i32
        %swap3A_757 = arith.index_cast %swap3A_756 : i32 to index
        %swap3A_758 = arith.index_cast %scan3A_399 : i32 to index
        %swap3A_759 = arith.constant 0 : index
        %swap3A_760 = tpu.vector_load %arg7[%swap3A_757, %swap3A_758, %swap3A_759] {strides = array<i32>} : memref<16x200x32xf32, #tpu.memory_space<vmem>>, vector<1x1x16xf32>,
        %swap3A_761 = vector.shape_cast %swap3A_760 : vector<1x1x16xf32> to vector<16xf32>
        %swap3A_762 = vector.shape_cast %add3A_755 : vector<16xf32> to vector<1x1x16xf32>
        tpu.vector_store %arg7[%swap3A_757, %swap3A_758, %swap3A_759], %swap3A_762 {strides = array<i32>} : memref<16x200x32xf32, #tpu.memory_space<vmem>>, vector<1x1x16xf32>,
        %get3A_763 = arith.constant 10 : i32
        %get3A_764 = arith.index_cast %get3A_763 : i32 to index
        %get3A_765 = arith.index_cast %scan3A_399 : i32 to index
        %get3A_766 = arith.constant 16 : index
        %get3A_767 = tpu.vector_load %arg7[%get3A_764, %get3A_765, %get3A_766] {strides = array<i32>} : memref<16x200x32xf32, #tpu.memory_space<vmem>>, vector<1x1x16xf32>,
        %get3A_768 = vector.shape_cast %get3A_767 : vector<1x1x16xf32> to vector<16xf32>
        %mul3A_769 = arith.constant 5.65685415 : f32
        %mul3A_770 = vector.broadcast %mul3A_769 : f32 to vector<16xf32>
        %mul3A_771 = arith.mulf %get3A_768, %mul3A_770 : vector<16xf32>
        %add3A_772 = arith.addf %mul3A_771, %get3A_406 : vector<16xf32>
        %swap3A_773 = arith.constant 10 : i32
        %swap3A_774 = arith.index_cast %swap3A_773 : i32 to index
        %swap3A_775 = arith.index_cast %scan3A_399 : i32 to index
        %swap3A_776 = arith.constant 16 : index
        %swap3A_777 = tpu.vector_load %arg7[%swap3A_774, %swap3A_775, %swap3A_776] {strides = array<i32>} : memref<16x200x32xf32, #tpu.memory_space<vmem>>, vector<1x1x16xf32>,
        %swap3A_778 = vector.shape_cast %swap3A_777 : vector<1x1x16xf32> to vector<16xf32>
        %swap3A_779 = vector.shape_cast %add3A_772 : vector<16xf32> to vector<1x1x16xf32>
        tpu.vector_store %arg7[%swap3A_774, %swap3A_775, %swap3A_776], %swap3A_779 {strides = array<i32>} : memref<16x200x32xf32, #tpu.memory_space<vmem>>, vector<1x1x16xf32>,
        %get3A_780 = arith.constant 11 : i32
        %get3A_781 = arith.index_cast %get3A_780 : i32 to index
        %get3A_782 = arith.index_cast %scan3A_399 : i32 to index
        %get3A_783 = arith.constant 0 : index
        %get3A_784 = tpu.vector_load %arg7[%get3A_781, %get3A_782, %get3A_783] {strides = array<i32>} : memref<16x200x32xf32, #tpu.memory_space<vmem>>, vector<1x1x16xf32>,
        %get3A_785 = vector.shape_cast %get3A_784 : vector<1x1x16xf32> to vector<16xf32>
        %mul3A_786 = arith.constant 5.65685415 : f32
        %mul3A_787 = vector.broadcast %mul3A_786 : f32 to vector<16xf32>
        %mul3A_788 = arith.mulf %get3A_785, %mul3A_787 : vector<16xf32>
        %add3A_789 = arith.addf %mul3A_788, %get3A_402 : vector<16xf32>
        %swap3A_790 = arith.constant 11 : i32
        %swap3A_791 = arith.index_cast %swap3A_790 : i32 to index
        %swap3A_792 = arith.index_cast %scan3A_399 : i32 to index
        %swap3A_793 = arith.constant 0 : index
        %swap3A_794 = tpu.vector_load %arg7[%swap3A_791, %swap3A_792, %swap3A_793] {strides = array<i32>} : memref<16x200x32xf32, #tpu.memory_space<vmem>>, vector<1x1x16xf32>,
        %swap3A_795 = vector.shape_cast %swap3A_794 : vector<1x1x16xf32> to vector<16xf32>
        %swap3A_796 = vector.shape_cast %add3A_789 : vector<16xf32> to vector<1x1x16xf32>
        tpu.vector_store %arg7[%swap3A_791, %swap3A_792, %swap3A_793], %swap3A_796 {strides = array<i32>} : memref<16x200x32xf32, #tpu.memory_space<vmem>>, vector<1x1x16xf32>,
        %get3A_797 = arith.constant 11 : i32
        %get3A_798 = arith.index_cast %get3A_797 : i32 to index
        %get3A_799 = arith.index_cast %scan3A_399 : i32 to index
        %get3A_800 = arith.constant 16 : index
        %get3A_801 = tpu.vector_load %arg7[%get3A_798, %get3A_799, %get3A_800] {strides = array<i32>} : memref<16x200x32xf32, #tpu.memory_space<vmem>>, vector<1x1x16xf32>,
        %get3A_802 = vector.shape_cast %get3A_801 : vector<1x1x16xf32> to vector<16xf32>
        %mul3A_803 = arith.constant 5.65685415 : f32
        %mul3A_804 = vector.broadcast %mul3A_803 : f32 to vector<16xf32>
        %mul3A_805 = arith.mulf %get3A_802, %mul3A_804 : vector<16xf32>
        %add3A_806 = arith.addf %mul3A_805, %get3A_406 : vector<16xf32>
        %swap3A_807 = arith.constant 11 : i32
        %swap3A_808 = arith.index_cast %swap3A_807 : i32 to index
        %swap3A_809 = arith.index_cast %scan3A_399 : i32 to index
        %swap3A_810 = arith.constant 16 : index
        %swap3A_811 = tpu.vector_load %arg7[%swap3A_808, %swap3A_809, %swap3A_810] {strides = array<i32>} : memref<16x200x32xf32, #tpu.memory_space<vmem>>, vector<1x1x16xf32>,
        %swap3A_812 = vector.shape_cast %swap3A_811 : vector<1x1x16xf32> to vector<16xf32>
        %swap3A_813 = vector.shape_cast %add3A_806 : vector<16xf32> to vector<1x1x16xf32>
        tpu.vector_store %arg7[%swap3A_808, %swap3A_809, %swap3A_810], %swap3A_813 {strides = array<i32>} : memref<16x200x32xf32, #tpu.memory_space<vmem>>, vector<1x1x16xf32>,
        %get3A_814 = arith.constant 12 : i32
        %get3A_815 = arith.index_cast %get3A_814 : i32 to index
        %get3A_816 = arith.index_cast %scan3A_399 : i32 to index
        %get3A_817 = arith.constant 0 : index
        %get3A_818 = tpu.vector_load %arg7[%get3A_815, %get3A_816, %get3A_817] {strides = array<i32>} : memref<16x200x32xf32, #tpu.memory_space<vmem>>, vector<1x1x16xf32>,
        %get3A_819 = vector.shape_cast %get3A_818 : vector<1x1x16xf32> to vector<16xf32>
        %mul3A_820 = arith.constant 5.65685415 : f32
        %mul3A_821 = vector.broadcast %mul3A_820 : f32 to vector<16xf32>
        %mul3A_822 = arith.mulf %get3A_819, %mul3A_821 : vector<16xf32>
        %add3A_823 = arith.addf %mul3A_822, %get3A_402 : vector<16xf32>
        %swap3A_824 = arith.constant 12 : i32
        %swap3A_825 = arith.index_cast %swap3A_824 : i32 to index
        %swap3A_826 = arith.index_cast %scan3A_399 : i32 to index
        %swap3A_827 = arith.constant 0 : index
        %swap3A_828 = tpu.vector_load %arg7[%swap3A_825, %swap3A_826, %swap3A_827] {strides = array<i32>} : memref<16x200x32xf32, #tpu.memory_space<vmem>>, vector<1x1x16xf32>,
        %swap3A_829 = vector.shape_cast %swap3A_828 : vector<1x1x16xf32> to vector<16xf32>
        %swap3A_830 = vector.shape_cast %add3A_823 : vector<16xf32> to vector<1x1x16xf32>
        tpu.vector_store %arg7[%swap3A_825, %swap3A_826, %swap3A_827], %swap3A_830 {strides = array<i32>} : memref<16x200x32xf32, #tpu.memory_space<vmem>>, vector<1x1x16xf32>,
        %get3A_831 = arith.constant 12 : i32
        %get3A_832 = arith.index_cast %get3A_831 : i32 to index
        %get3A_833 = arith.index_cast %scan3A_399 : i32 to index
        %get3A_834 = arith.constant 16 : index
        %get3A_835 = tpu.vector_load %arg7[%get3A_832, %get3A_833, %get3A_834] {strides = array<i32>} : memref<16x200x32xf32, #tpu.memory_space<vmem>>, vector<1x1x16xf32>,
        %get3A_836 = vector.shape_cast %get3A_835 : vector<1x1x16xf32> to vector<16xf32>
        %mul3A_837 = arith.constant 5.65685415 : f32
        %mul3A_838 = vector.broadcast %mul3A_837 : f32 to vector<16xf32>
        %mul3A_839 = arith.mulf %get3A_836, %mul3A_838 : vector<16xf32>
        %add3A_840 = arith.addf %mul3A_839, %get3A_406 : vector<16xf32>
        %swap3A_841 = arith.constant 12 : i32
        %swap3A_842 = arith.index_cast %swap3A_841 : i32 to index
        %swap3A_843 = arith.index_cast %scan3A_399 : i32 to index
        %swap3A_844 = arith.constant 16 : index
        %swap3A_845 = tpu.vector_load %arg7[%swap3A_842, %swap3A_843, %swap3A_844] {strides = array<i32>} : memref<16x200x32xf32, #tpu.memory_space<vmem>>, vector<1x1x16xf32>,
        %swap3A_846 = vector.shape_cast %swap3A_845 : vector<1x1x16xf32> to vector<16xf32>
        %swap3A_847 = vector.shape_cast %add3A_840 : vector<16xf32> to vector<1x1x16xf32>
        tpu.vector_store %arg7[%swap3A_842, %swap3A_843, %swap3A_844], %swap3A_847 {strides = array<i32>} : memref<16x200x32xf32, #tpu.memory_space<vmem>>, vector<1x1x16xf32>,
        %get3A_848 = arith.constant 13 : i32
        %get3A_849 = arith.index_cast %get3A_848 : i32 to index
        %get3A_850 = arith.index_cast %scan3A_399 : i32 to index
        %get3A_851 = arith.constant 0 : index
        %get3A_852 = tpu.vector_load %arg7[%get3A_849, %get3A_850, %get3A_851] {strides = array<i32>} : memref<16x200x32xf32, #tpu.memory_space<vmem>>, vector<1x1x16xf32>,
        %get3A_853 = vector.shape_cast %get3A_852 : vector<1x1x16xf32> to vector<16xf32>
        %mul3A_854 = arith.constant 5.65685415 : f32
        %mul3A_855 = vector.broadcast %mul3A_854 : f32 to vector<16xf32>
        %mul3A_856 = arith.mulf %get3A_853, %mul3A_855 : vector<16xf32>
        %add3A_857 = arith.addf %mul3A_856, %get3A_402 : vector<16xf32>
        %swap3A_858 = arith.constant 13 : i32
        %swap3A_859 = arith.index_cast %swap3A_858 : i32 to index
        %swap3A_860 = arith.index_cast %scan3A_399 : i32 to index
        %swap3A_861 = arith.constant 0 : index
        %swap3A_862 = tpu.vector_load %arg7[%swap3A_859, %swap3A_860, %swap3A_861] {strides = array<i32>} : memref<16x200x32xf32, #tpu.memory_space<vmem>>, vector<1x1x16xf32>,
        %swap3A_863 = vector.shape_cast %swap3A_862 : vector<1x1x16xf32> to vector<16xf32>
        %swap3A_864 = vector.shape_cast %add3A_857 : vector<16xf32> to vector<1x1x16xf32>
        tpu.vector_store %arg7[%swap3A_859, %swap3A_860, %swap3A_861], %swap3A_864 {strides = array<i32>} : memref<16x200x32xf32, #tpu.memory_space<vmem>>, vector<1x1x16xf32>,
        %get3A_865 = arith.constant 13 : i32
        %get3A_866 = arith.index_cast %get3A_865 : i32 to index
        %get3A_867 = arith.index_cast %scan3A_399 : i32 to index
        %get3A_868 = arith.constant 16 : index
        %get3A_869 = tpu.vector_load %arg7[%get3A_866, %get3A_867, %get3A_868] {strides = array<i32>} : memref<16x200x32xf32, #tpu.memory_space<vmem>>, vector<1x1x16xf32>,
        %get3A_870 = vector.shape_cast %get3A_869 : vector<1x1x16xf32> to vector<16xf32>
        %mul3A_871 = arith.constant 5.65685415 : f32
        %mul3A_872 = vector.broadcast %mul3A_871 : f32 to vector<16xf32>
        %mul3A_873 = arith.mulf %get3A_870, %mul3A_872 : vector<16xf32>
        %add3A_874 = arith.addf %mul3A_873, %get3A_406 : vector<16xf32>
        %swap3A_875 = arith.constant 13 : i32
        %swap3A_876 = arith.index_cast %swap3A_875 : i32 to index
        %swap3A_877 = arith.index_cast %scan3A_399 : i32 to index
        %swap3A_878 = arith.constant 16 : index
        %swap3A_879 = tpu.vector_load %arg7[%swap3A_876, %swap3A_877, %swap3A_878] {strides = array<i32>} : memref<16x200x32xf32, #tpu.memory_space<vmem>>, vector<1x1x16xf32>,
        %swap3A_880 = vector.shape_cast %swap3A_879 : vector<1x1x16xf32> to vector<16xf32>
        %swap3A_881 = vector.shape_cast %add3A_874 : vector<16xf32> to vector<1x1x16xf32>
        tpu.vector_store %arg7[%swap3A_876, %swap3A_877, %swap3A_878], %swap3A_881 {strides = array<i32>} : memref<16x200x32xf32, #tpu.memory_space<vmem>>, vector<1x1x16xf32>,
        %get3A_882 = arith.constant 14 : i32
        %get3A_883 = arith.index_cast %get3A_882 : i32 to index
        %get3A_884 = arith.index_cast %scan3A_399 : i32 to index
        %get3A_885 = arith.constant 0 : index
        %get3A_886 = tpu.vector_load %arg7[%get3A_883, %get3A_884, %get3A_885] {strides = array<i32>} : memref<16x200x32xf32, #tpu.memory_space<vmem>>, vector<1x1x16xf32>,
        %get3A_887 = vector.shape_cast %get3A_886 : vector<1x1x16xf32> to vector<16xf32>
        %mul3A_888 = arith.constant 5.65685415 : f32
        %mul3A_889 = vector.broadcast %mul3A_888 : f32 to vector<16xf32>
        %mul3A_890 = arith.mulf %get3A_887, %mul3A_889 : vector<16xf32>
        %add3A_891 = arith.addf %mul3A_890, %get3A_402 : vector<16xf32>
        %swap3A_892 = arith.constant 14 : i32
        %swap3A_893 = arith.index_cast %swap3A_892 : i32 to index
        %swap3A_894 = arith.index_cast %scan3A_399 : i32 to index
        %swap3A_895 = arith.constant 0 : index
        %swap3A_896 = tpu.vector_load %arg7[%swap3A_893, %swap3A_894, %swap3A_895] {strides = array<i32>} : memref<16x200x32xf32, #tpu.memory_space<vmem>>, vector<1x1x16xf32>,
        %swap3A_897 = vector.shape_cast %swap3A_896 : vector<1x1x16xf32> to vector<16xf32>
        %swap3A_898 = vector.shape_cast %add3A_891 : vector<16xf32> to vector<1x1x16xf32>
        tpu.vector_store %arg7[%swap3A_893, %swap3A_894, %swap3A_895], %swap3A_898 {strides = array<i32>} : memref<16x200x32xf32, #tpu.memory_space<vmem>>, vector<1x1x16xf32>,
        %get3A_899 = arith.constant 14 : i32
        %get3A_900 = arith.index_cast %get3A_899 : i32 to index
        %get3A_901 = arith.index_cast %scan3A_399 : i32 to index
        %get3A_902 = arith.constant 16 : index
        %get3A_903 = tpu.vector_load %arg7[%get3A_900, %get3A_901, %get3A_902] {strides = array<i32>} : memref<16x200x32xf32, #tpu.memory_space<vmem>>, vector<1x1x16xf32>,
        %get3A_904 = vector.shape_cast %get3A_903 : vector<1x1x16xf32> to vector<16xf32>
        %mul3A_905 = arith.constant 5.65685415 : f32
        %mul3A_906 = vector.broadcast %mul3A_905 : f32 to vector<16xf32>
        %mul3A_907 = arith.mulf %get3A_904, %mul3A_906 : vector<16xf32>
        %add3A_908 = arith.addf %mul3A_907, %get3A_406 : vector<16xf32>
        %swap3A_909 = arith.constant 14 : i32
        %swap3A_910 = arith.index_cast %swap3A_909 : i32 to index
        %swap3A_911 = arith.index_cast %scan3A_399 : i32 to index
        %swap3A_912 = arith.constant 16 : index
        %swap3A_913 = tpu.vector_load %arg7[%swap3A_910, %swap3A_911, %swap3A_912] {strides = array<i32>} : memref<16x200x32xf32, #tpu.memory_space<vmem>>, vector<1x1x16xf32>,
        %swap3A_914 = vector.shape_cast %swap3A_913 : vector<1x1x16xf32> to vector<16xf32>
        %swap3A_915 = vector.shape_cast %add3A_908 : vector<16xf32> to vector<1x1x16xf32>
        tpu.vector_store %arg7[%swap3A_910, %swap3A_911, %swap3A_912], %swap3A_915 {strides = array<i32>} : memref<16x200x32xf32, #tpu.memory_space<vmem>>, vector<1x1x16xf32>,
        %get3A_916 = arith.constant 15 : i32
        %get3A_917 = arith.index_cast %get3A_916 : i32 to index
        %get3A_918 = arith.index_cast %scan3A_399 : i32 to index
        %get3A_919 = arith.constant 0 : index
        %get3A_920 = tpu.vector_load %arg7[%get3A_917, %get3A_918, %get3A_919] {strides = array<i32>} : memref<16x200x32xf32, #tpu.memory_space<vmem>>, vector<1x1x16xf32>,
        %get3A_921 = vector.shape_cast %get3A_920 : vector<1x1x16xf32> to vector<16xf32>
        %mul3A_922 = arith.constant 5.65685415 : f32
        %mul3A_923 = vector.broadcast %mul3A_922 : f32 to vector<16xf32>
        %mul3A_924 = arith.mulf %get3A_921, %mul3A_923 : vector<16xf32>
        %add3A_925 = arith.addf %mul3A_924, %get3A_402 : vector<16xf32>
        %swap3A_926 = arith.constant 15 : i32
        %swap3A_927 = arith.index_cast %swap3A_926 : i32 to index
        %swap3A_928 = arith.index_cast %scan3A_399 : i32 to index
        %swap3A_929 = arith.constant 0 : index
        %swap3A_930 = tpu.vector_load %arg7[%swap3A_927, %swap3A_928, %swap3A_929] {strides = array<i32>} : memref<16x200x32xf32, #tpu.memory_space<vmem>>, vector<1x1x16xf32>,
        %swap3A_931 = vector.shape_cast %swap3A_930 : vector<1x1x16xf32> to vector<16xf32>
        %swap3A_932 = vector.shape_cast %add3A_925 : vector<16xf32> to vector<1x1x16xf32>
        tpu.vector_store %arg7[%swap3A_927, %swap3A_928, %swap3A_929], %swap3A_932 {strides = array<i32>} : memref<16x200x32xf32, #tpu.memory_space<vmem>>, vector<1x1x16xf32>,
        %get3A_933 = arith.constant 15 : i32
        %get3A_934 = arith.index_cast %get3A_933 : i32 to index
        %get3A_935 = arith.index_cast %scan3A_399 : i32 to index
        %get3A_936 = arith.constant 16 : index
        %get3A_937 = tpu.vector_load %arg7[%get3A_934, %get3A_935, %get3A_936] {strides = array<i32>} : memref<16x200x32xf32, #tpu.memory_space<vmem>>, vector<1x1x16xf32>,
        %get3A_938 = vector.shape_cast %get3A_937 : vector<1x1x16xf32> to vector<16xf32>
        %mul3A_939 = arith.constant 5.65685415 : f32
        %mul3A_940 = vector.broadcast %mul3A_939 : f32 to vector<16xf32>
        %mul3A_941 = arith.mulf %get3A_938, %mul3A_940 : vector<16xf32>
        %add3A_942 = arith.addf %mul3A_941, %get3A_406 : vector<16xf32>
        %swap3A_943 = arith.constant 15 : i32
        %swap3A_944 = arith.index_cast %swap3A_943 : i32 to index
        %swap3A_945 = arith.index_cast %scan3A_399 : i32 to index
        %swap3A_946 = arith.constant 16 : index
        %swap3A_947 = tpu.vector_load %arg7[%swap3A_944, %swap3A_945, %swap3A_946] {strides = array<i32>} : memref<16x200x32xf32, #tpu.memory_space<vmem>>, vector<1x1x16xf32>,
        %swap3A_948 = vector.shape_cast %swap3A_947 : vector<1x1x16xf32> to vector<16xf32>
        %swap3A_949 = vector.shape_cast %add3A_942 : vector<16xf32> to vector<1x1x16xf32>
        tpu.vector_store %arg7[%swap3A_944, %swap3A_945, %swap3A_946], %swap3A_949 {strides = array<i32>} : memref<16x200x32xf32, #tpu.memory_space<vmem>>, vector<1x1x16xf32>,
      }
      %scan3A_398 = arith.constant 200 : i32
      "tpu.region"() ({
        %run_scoped3A_399 = tpu.sem_alloc : memref<!tpu.dma_semaphore, #tpu.memory_space<semaphore_mem>>
        %dma_start3A_400 = arith.constant 0 : i32
        %dma_start3A_401 = arith.constant 0 : i32
        %dma_start3A_402 = tpu.memref_slice %arg5[%add3A_11, %dma_start3A_400, %dma_start3A_401] : memref<4096x200x32xf32, #tpu.memory_space<hbm>> -> memref<16x200x32xf32, #tpu.memory_space<hbm>>
        %dma_start3A_403 = arith.constant 0 : i32
        %dma_start3A_404 = arith.constant 0 : i32
        %dma_start3A_405 = tpu.memref_slice %arg5[%add3A_11, %dma_start3A_403, %dma_start3A_404] : memref<4096x200x32xf32, #tpu.memory_space<hbm>> -> memref<16x200x32xf32, #tpu.memory_space<hbm>>
        tpu.enqueue_dma source(%arg7 : memref<16x200x32xf32, #tpu.memory_space<vmem>>) target(%dma_start3A_405 : memref<16x200x32xf32, #tpu.memory_space<hbm>>) target_semaphore(%run_scoped3A_399 : memref<!tpu.dma_semaphore, #tpu.memory_space<semaphore_mem>>)
        %dma_wait3A_406 = arith.constant 0 : i32
        %dma_wait3A_407 = arith.constant 0 : i32
        %dma_wait3A_408 = tpu.memref_slice %arg5[%add3A_11, %dma_wait3A_406, %dma_wait3A_407] : memref<4096x200x32xf32, #tpu.memory_space<hbm>> -> memref<16x200x32xf32, #tpu.memory_space<hbm>>
        %dma_wait3A_409 = arith.constant 0 : i32
        %dma_wait3A_410 = arith.constant 0 : i32
        %dma_wait3A_411 = tpu.memref_slice %arg5[%add3A_11, %dma_wait3A_409, %dma_wait3A_410] : memref<4096x200x32xf32, #tpu.memory_space<hbm>> -> memref<16x200x32xf32, #tpu.memory_space<hbm>>
        tpu.wait_dma2 semaphore(%run_scoped3A_399 : memref<!tpu.dma_semaphore, #tpu.memory_space<semaphore_mem>>) src(%arg7 : memref<16x200x32xf32, #tpu.memory_space<vmem>>) dst(%dma_wait3A_411 : memref<16x200x32xf32, #tpu.memory_space<hbm>>)
        tpu.yield
      }) : () -> ()
    }
    %scan3A_7 = arith.constant 8 : i32
    return
  }
}

</mosaic_0001>

<sc_bundles>
// kernel: _tok_embed.3.cloned.1.call-start
scs
__scs_entry_jumppad:
0x0: {  	(pc) =	sbr.rel $0x88, $3  }
0x1: {  	(tag) =	ssettag $0x0;
	lr =	simm.s32 $0x1  }
0x2: {  	[smem:$0x3F9E] =	sst lr;
	_ =	strace $0xD0000000  }
0x3: {  	_ = 	snop  }
0x4: {  	_ = 	snop  }
0x5: {  	_ = 	snop  }
0x6: {  	_ = 	snop  }
0x7: {  	_ = 	snop  }
__scs_overlays_trampoline_lowered:
0x8: {  	[smem:$0x3FAD] =	sst s0  }
0x9: {  	[smem:$0x3FAE] =	sst s1  }
0xa: {  	[smem:$0x3FAF] =	sst s2  }
0xb: {  	[smem:$0x3FB0] =	sst s3  }
0xc: {  	[smem:$0x3FB1] =	sst s4  }
0xd: {  	[smem:$0x3FB2] =	sst s5  }
0xe: {  	[smem:$0x3FB3] =	sst s6  }
0xf: {  	[smem:$0x3FB4] =	sst s7  }
0x10: {  	[smem:$0x3FB5] =	sst s8  }
0x11: {  	[smem:$0x3FB6] =	sst s9;
	s0 =	simm.s32 @!p0 $0x0  }
0x12: {  	s1 =	sld [smem:$0x3F9C];
	s0 =	simm.s32 @p0 $0x1  }
0x13: {  	[smem:$0x3FB7] =	sst s0;
	s0 =	simm.s32 @!p1 $0x0  }
0x14: {  	s2 =	sld [smem:$0x3F9B];
	s0 =	simm.s32 @p1 $0x1  }
0x15: {  	[smem:$0x3FB8] =	sst s0;
	s0 =	simm.s32 @!p2 $0x0  }
0x16: {  	s3 =	sld [smem:$0x3FDB];
	s0 =	simm.s32 @p2 $0x1  }
0x17: {  	s4 =	simm.s32 $0x1BF5;
	[smem:$0x3FBA] =	sst s0  }
0x18: {  	s0 =	sld [smem:$0x3F9D];
	_ =	swait.ge [sflag:s4], $0x0  }
0x19: {  	s7 =	sld [smem:$0x3F9E]  }
0x1a: {  	s8 =	sadd.s32 $0xFFFFE003, lr  }
0x1b: {  	s9 =	sadd.s32 $0xFFFFFEF7, lr;
	s5 =	simm.s32 $0xFFFFFFFF;
	p2 =	slt.u32 s8, $0xFFFFF086  }
0x1c: {  	p1 =	slt.u32 s9, $0xF7A;
	s5 =	simm.s32 @!p2 $0x0  }
0x1d: {  	s5 =	simm.s32 @p1 $0x1;
	p0 =	seq.s32 s7, s2  }
0x1e: {  	s7 =	smul.u32 @!p0 $0xF7A, s2;
	p2 =	seq.s32 @!p0 s5, $0x0  }
0x1f: {  	s9 =	smul.u32 $0xF7A, s1;
	s8 =	simm.s32 @!p0 $0x1BF5;
	p2 =	por !p2, p0  }
0x20: {  	[sflag:s8] =	ssyncset.s32 @!p0 $0xFFFFF086;
	s6 =	sadd.s32 @!p0 s3, s7;
	s7 =	simm.s32 @!p0 $0x108  }
0x21: {  	s3 =	sadd.s32 s3, s9;
	s6 =	sadd.s32 @!p0 $0x88, s6;
	s7 =	simm.s32 @p2 $0x1082  }
0x22: {  	[simem:s7], [sflag:s8] =	dma.local @!p0 [hbm:s6], $0xF7A  }
0x23: {  	s9 =	sor.u32 $0xD0000000, s2;
	s6 =	simm.s32 $0x108;
	_ =	swait.ge @!p0 [sflag:s8], $0x0  }
0x24: {  	s3 =	sadd.s32 $0x88, s3;
	s6 =	simm.s32 @!p1 $0x1082;
	[sflag:s4] =	ssyncset.s32 $0xFFFFF086  }
0x25: {  	[simem:s6], [sflag:s4] =	dma.local [hbm:s3], $0xF7A  }
0x26: {  	[smem:$0x3F9E] =	sst s1;
	(tag) =	ssettag s2;
	_ =	strace s9  }
0x27: {  	s1 =	sld [smem:$0x3FAE]  }
0x28: {  	s2 =	sld [smem:$0x3FAF]  }
0x29: {  	s4 =	sld [smem:$0x3FB1]  }
0x2a: {  	p0 =	seq.s32 s5, $0x0;
	s5 =	sld [smem:$0x3FB2]  }
0x2b: {  	s6 =	sld [smem:$0x3FB3]  }
0x2c: {  	s7 =	sld [smem:$0x3FB4]  }
0x2d: {  	s3 =	simm.s32 $0x108;
	s8 =	sld [smem:$0x3FB5]  }
0x2e: {  	s3 =	simm.s32 @!p0 $0x1082;
	s9 =	sld [smem:$0x3FB6]  }
0x2f: {  	lr =	sadd.s32 s0, s3;
	s0 =	sld [smem:$0x3FAD]  }
0x30: {  	s3 =	sld [smem:$0x3FB0]  }
0x31: {  	[smem:$0x3FB9] =	sst s10  }
0x32: {  	s10 =	sld [smem:$0x3FB7];
	_ =	sdelay $0x3  }
0x33: {  	p0 =	seq.s32 s10, $0x1;
	s10 =	sld [smem:$0x3FB9];
	_ =	sdelay $0x3  }
0x34: {  	[smem:$0x3FB9] =	sst s10  }
0x35: {  	s10 =	sld [smem:$0x3FB8];
	_ =	sdelay $0x3  }
0x36: {  	p1 =	seq.s32 s10, $0x1;
	s10 =	sld [smem:$0x3FB9];
	_ =	sdelay $0x3  }
0x37: {  	[smem:$0x3FB9] =	sst s10  }
0x38: {  	s10 =	sld [smem:$0x3FBA]  }
0x39: {  	_ = 	snop;
	(pc) =	sbr.ind lr, $3  }
0x3a: {  	_ = 	snop  }
0x3b: {  	_ = 	snop  }
0x3c: {  	p2 =	seq.s32 s10, $0x1;
	s10 =	sld [smem:$0x3FB9]  }
0x3d: {  	_ =	shalt  }
0x3e: {  	_ =	shalt  }
0x3f: {  	_ =	shalt  }
0x40: {  	_ =	shalt  }
0x41: {  	_ =	shalt  }
0x42: {  	_ =	shalt  }
0x43: {  	_ =	shalt  }
0x44: {  	_ =	shalt  }
0x45: {  	_ =	shalt  }
0x46: {  	_ =	shalt  }
0x47: {  	_ =	shalt  }
0x48: {  	_ =	shalt  }
0x49: {  	_ =	shalt  }
0x4a: {  	_ =	shalt  }
0x4b: {  	_ =	shalt  }
0x4c: {  	_ =	shalt  }
0x4d: {  	_ =	shalt  }
0x4e: {  	_ =	shalt  }
0x4f: {  	_ =	shalt  }
0x50: {  	_ =	shalt  }
0x51: {  	_ =	shalt  }
0x52: {  	_ =	shalt  }
0x53: {  	_ =	shalt  }
0x54: {  	_ =	shalt  }
0x55: {  	_ =	shalt  }
0x56: {  	_ =	shalt  }
0x57: {  	_ =	shalt  }
0x58: {  	_ =	shalt  }
0x59: {  	_ =	shalt  }
0x5a: {  	_ =	shalt  }
0x5b: {  	_ =	shalt  }
0x5c: {  	_ =	shalt  }
0x5d: {  	_ =	shalt  }
0x5e: {  	_ =	shalt  }
0x5f: {  	_ =	shalt  }
0x60: {  	_ =	shalt  }
0x61: {  	_ =	shalt  }
0x62: {  	_ =	shalt  }
0x63: {  	_ =	shalt  }
0x64: {  	_ =	shalt  }
0x65: {  	_ =	shalt  }
0x66: {  	_ =	shalt  }
0x67: {  	_ =	shalt  }
0x68: {  	_ =	shalt  }
0x69: {  	_ =	shalt  }
0x6a: {  	_ =	shalt  }
0x6b: {  	_ =	shalt  }
0x6c: {  	_ =	shalt  }
0x6d: {  	_ =	shalt  }
0x6e: {  	_ =	shalt  }
0x6f: {  	_ =	shalt  }
0x70: {  	_ =	shalt  }
0x71: {  	_ =	shalt  }
0x72: {  	_ =	shalt  }
0x73: {  	_ =	shalt  }
0x74: {  	_ =	shalt  }
0x75: {  	_ =	shalt  }
0x76: {  	_ =	shalt  }
0x77: {  	_ =	shalt  }
0x78: {  	_ =	shalt  }
0x79: {  	_ =	shalt  }
0x7a: {  	_ =	shalt  }
0x7b: {  	_ =	shalt  }
0x7c: {  	_ =	shalt  }
0x7d: {  	_ =	shalt  }
0x7e: {  	_ =	shalt  }
0x7f: {  	_ =	shalt  }
0x80: {  	_ =	shalt  }
0x81: {  	_ =	shalt  }
0x82: {  	_ =	shalt  }
0x83: {  	_ =	shalt  }
0x84: {  	_ =	shalt  }
0x85: {  	_ =	shalt  }
0x86: {  	_ =	shalt  }
0x87: {  	_ =	shalt  }
.Lfunc_end0:
.L_simem_size_0:
called_computation.1_lowered:
.L_overlay_start_0:
0x88: {  	s2 =	sld [smem:$0x3FD9]  }
0x89: {  	s3 =	sld [smem:$0x3FFE];
	_ =	sdelay $0x1  }
0x8a: {  	s1 =	srdreg.scid  }
0x8b: {  	s0 =	sand.u32 $0x1, s1  }
0x8c: {  	s17 =	sshll.u32 s0, $0xA;
	s2 =	sadd.s32 s3, s2  }
0x8d: {  	s2 =	sadd.s32 s2, s17  }
0x8e: {  	[smem:$0x3FC5] =	sst s2  }
0x8f: {  	_ = 	snop  }
0x90: {  	s2 =	sld [smem:$0x3FD0];
	(tm) =	ssettm $0x1  }
0x91: {  	s18 =	sld [smem:$0x3FFB];
	_ =	sdelay $0x3  }
0x92: {  	_ =	strace s18  }
0x93: {  	s3 =	sld [smem:$0x3FFC];
	_ =	sdelay $0x3  }
0x94: {  	_ =	strace s3  }
0x95: {  	s3 =	sld [smem:$0x3FFD];
	_ =	sdelay $0x3  }
0x96: {  	_ =	strace s3  }
0x97: {  	_ =	strace $0x8FFFFFFF  }
0x98: {  	s19 =	sld [smem:$0x3FDB];
	_ =	sdelay $0x1  }
0x99: {  	s4 =	simm.s32 $_scs_section_size  }
0x9a: {  	s5 =	simm.s32 $_size__tile_overlayer_lowered;
	s6 =	simm.s32 $_tile_overlayer_lowered  }
0x9b: {  	s22 =	simm.s32 $0x1BFF;
	s21 =	sshll.u32 s6, $0x1;
	s3 =	sadd.s32 s4, s19  }
0x9c: {  	s7 =	simm.s32 $0x0;
	s20 =	sshll.u32 s5, $0x1;
	s5 =	sadd.s32 s21, s3  }
0x9d: {  	[timem:s7], [sflag:s22] =	dma.local [hbm:s5], s20  }
0x9e: {  	_ =	swait.ge [sflag:s22], s20  }
0x9f: {  	s4 =	ssub.s32 $0x0, s20;
	[sflag:s22] =	ssyncset.done $0x0  }
0xa0: {  	[sflag:s22] =	ssyncadd.s32 s4;
	_ =	sdelay $0x1  }
0xa1: {  	s23 =	simm.s32 $0x1B8B  }
0xa2: {  	_ =	swait.ge [sflag:s23], $0x1  }
0xa3: {  	[sflag:s23] =	ssyncset.done $0x0  }
0xa4: {  	s25 =	simm.s32 $0x1B8E;
	s24 =	sld [smem:$0x3FFE];
	[sflag:s23] =	ssyncadd.s32 $0xFFFFFFFF  }
0xa5: {  	s26 =	simm.s32 $execute0_lowered;
	[smem:$0x3FD2] =	sst s25  }
0xa6: {  	s5 =	sshll.u32 s26, $0x1;
	_ =	strace $0x80000046;
	[dreg:$0x1] =	wrdreg $0xFFFFFFFF  }
0xa7: {  	s28 =	simm.s32 $_size_execute0_lowered;
	s3 =	sadd.s32 s3, s5;
	[dreg:$0x0] =	wrdreg $0x0  }
0xa8: {  	s5 =	sshll.u32 s28, $0x1;
	[dreg:$0x2] =	wrdreg s3  }
0xa9: {  	[dreg:$0x3] =	wrdreg s5  }
0xaa: {  	[dreg:$0x4] =	wrdreg $0xC0  }
0xab: {  	_ =	task [dreg:s7], $0x5FFFF  }
0xac: {  	[dreg:$0x1] =	wrdreg $0xFFFFFFFF  }
0xad: {  	[dreg:$0x0] =	wrdreg $0x60  }
0xae: {  	[dreg:$0x2] =	wrdreg s24  }
0xaf: {  	[dreg:$0x3] =	wrdreg s2  }
0xb0: {  	[dreg:$0x4] =	wrdreg $0x9  }
0xb1: {  	_ =	task.clear_ibuf [dreg:s7], $0x5FFFF;
	_ =	strace $0x90000046  }
0xb2: {  	s29 =	simm.s32 $0x9;
	_ =	strace $0x80000048  }
0xb3: {  	_ =	swait.ge [sflag:s29], $0x1  }
0xb4: {  	[sflag:s29] =	ssyncadd.s32 $0xFFFFFFFF  }
0xb5: {  	_ =	strace $0x90000048  }
0xb6: {  	_ =	sfence  }
0xb7: {  	s30 =	sld [smem:$0x0];
	_ =	sdelay $0x2  }
0xb8: {  	s31 =	sshll.u32 s1, $0xD;
	s1 =	sshrl.u32 s1, $0x2  }
0xb9: {  	s3 =	sand.u32 $0x4000, s31;
	s1 =	sadd.s32 s1, s30  }
0xba: {  	s0 =	sor.u32 s3, s0;
	s1 =	sshll.u32 s1, $0x11  }
0xbb: {  	s0 =	sor.u32 s1, s0  }
0xbc: {  	s0 =	sadd.s32 $0x8F2B, s0  }
0xbd: {  	[sflag:s0] =	ssyncadd.remote.s32 $0x1  }
0xbe: {  	_ =	sfence.sel $0xFFFF  }
0xbf: {  	[dreg:$0x0] =	wrdreg $0xFFFFFFFF;
	(pc) =	sbr.abs _section_cstart, $3  }
0xc0: {  	[dreg:$0x1] =	wrdreg $0xFFFFFFFF  }
0xc1: {  	_ =	task.clear_ibuf [dreg:s7], $0x2FFFF;
	_ =	strace $0x9FFFFFFF  }
0xc2: {  	(tm) =	ssettm $0x7FFFFFFF  }
0xc3: {  	_ =	shalt  }
tec
execute0_lowered:
.L_overlay_start_1:
0x0: {  	(tag) =	ssettag $0x1  }
0x1: {  	s0 =	rddreg [dreg:$0x0]  }
0x2: {  	s1 =	simm.s32 $0x0;
	s25 =	srdreg.scid;
	s6 =	stileid.u32  }
0x3: {  	s10 =	simm.s32 $0x2;
	s11 =	simm.s32 $0xC8;
	s12 =	simm.s32 $0xC80  }
0x4: {  	s23 =	simm.s32 $0xA280;
	s24 =	simm.s32 $0x578;
	s28 =	simm.s32 $0xD480  }
0x5: {  	s29 =	simm.s32 $0x708;
	s30 =	simm.s32 $0xED80;
	s31 =	simm.s32 $0x7D0  }
0x6: {  	s9 =	simm.s32 $0x11F80;
	s8 =	simm.s32 $0x13880;
	s13 =	simm.s32 $0xAF0  }
0x7: {  	s14 =	simm.s32 $0x16A80;
	s15 =	simm.s32 $0xBB8;
	s16 =	simm.s32 $0x18380  }
0x8: {  	s17 =	simm.s32 $0x1;
	s19 =	simm.s32 $0x0;
	[smem:$0x7FF] =	sst s1  }
0x9: {  	s4 =	sadd.s32 $0xC00, s0;
	s1 =	sand.u32 $0x1, s25;
	s5 =	sadd.s32 $0xF43000, s0  }
0xa: {  	s6 =	sshll.u32 s6, $0x8;
	s0 =	sadd.s32 $0x19C00, s0;
	s25 =	simm.s32 $0xBB80  }
0xb: {  	_ =	strace $0x80000047;
	s2 =	ssub.s32 $0x2, s1;
	s1 =	sshll.u32 s1, $0x7  }
0xc: {  	[dreg:$0x3] =	wrdreg s0;
	s3 =	sshrl.u32 s2, $0x1;
	s7 =	sor.u32 s1, s6  }
0xd: {  	s6 =	simm.s32 $0x960;
	s1 =	simm.s32 $0xA28;
	s26 =	ssub.s32 s2, s3  }
0xe: {  	s3 =	simm.s32 $0x898;
	s2 =	simm.s32 $0x15180;
	s0 =	smax.u32 s26, $0x1  }
0xf: {  	s26 =	simm.s32 $0x640;
	[dreg:$0x4] =	wrdreg s0;
	s0 =	simm.s32 $0x10680  }
.LBB2_1:
0x10: {  	[dreg:$0x5] =	wrdreg s19  }
0x11: {  	s18 =	simm.s32 $0x0;
	s22 =	rddreg [dreg:$0x3];
	s20 =	simm.s32 $0x19C80  }
0x12: {  	[tilespmem:s20], [sflag:$0x2] =	stream.linear.gather [hbm4b:s22+s18], $0x1900, $0x38;
	[tilespmem:$0x1B580] =	vst v63  }
0x13: {  	_ =	swait.ge [sflag:s10], $0x1900  }
0x14: {  	[sflag:s10] =	ssyncset.done $0x0  }
0x15: {  	s18 =	simm.s32 $0x0;
	[sflag:s10] =	ssyncadd.s32 $0xFFFFE700  }
.LBB2_2:
0x16: {  	s19 =	sshll.u32 s18, $0x4  }
0x17: {  	s19 =	sadd.s32 s7, s19  }
0x18: {  	s20 =	smul.u32 $0x19, s19;
	_ =	sdelay $0x1  }
0x19: {  	s21 =	simm.s32 $0x0;
	s20 =	sadd.s32 s4, s20  }
0x1a: {  	[tilespmem:s21], [sflag:$0x2] =	stream.linear.gather [hbm4b:s20+s21], $0xC80, $0x38;
	[tilespmem:$0x1B580] =	vst v63  }
0x1b: {  	_ =	swait.ge [sflag:s10], $0xC80  }
0x1c: {  	[sflag:s10] =	ssyncset.done $0x0  }
0x1d: {  	[sflag:s10] =	ssyncadd.s32 $0xFFFFF380  }
0x1e: {  	[tilespmem:s12], [sflag:$0x1] =	stream.indirect.gather [hbm4b:s5+s11], $0x20, s21, s11, $0xb8;
	[tilespmem:$0x1B580] =	vst v63  }
0x1f: {  	s22 =	simm.s32 $0x2580  }
0x20: {  	[tilespmem:s22], [sflag:$0x1] =	stream.indirect.gather [hbm4b:s5+s11], $0x20, s11, s11, $0xb8;
	[tilespmem:$0x1B580] =	vst v63  }
0x21: {  	s21 =	simm.s32 $0x190;
	s22 =	simm.s32 $0x3E80  }
0x22: {  	[tilespmem:s22], [sflag:$0x1] =	stream.indirect.gather [hbm4b:s5+s11], $0x20, s21, s11, $0xb8;
	[tilespmem:$0x1B580] =	vst v63  }
0x23: {  	s21 =	simm.s32 $0x258;
	s22 =	simm.s32 $0x5780  }
0x24: {  	[tilespmem:s22], [sflag:$0x1] =	stream.indirect.gather [hbm4b:s5+s11], $0x20, s21, s11, $0xb8;
	[tilespmem:$0x1B580] =	vst v63  }
0x25: {  	s21 =	simm.s32 $0x320;
	s22 =	simm.s32 $0x7080  }
0x26: {  	[tilespmem:s22], [sflag:$0x1] =	stream.indirect.gather [hbm4b:s5+s11], $0x20, s21, s11, $0xb8;
	[tilespmem:$0x1B580] =	vst v63  }
0x27: {  	s21 =	simm.s32 $0x3E8;
	s22 =	simm.s32 $0x8980  }
0x28: {  	[tilespmem:s22], [sflag:$0x1] =	stream.indirect.gather [hbm4b:s5+s11], $0x20, s21, s11, $0xb8;
	[tilespmem:$0x1B580] =	vst v63  }
0x29: {  	s22 =	simm.s32 $0x4B0  }
0x2a: {  	[tilespmem:s23], [sflag:$0x1] =	stream.indirect.gather [hbm4b:s5+s11], $0x20, s22, s11, $0xb8;
	[tilespmem:$0x1B580] =	vst v63  }
0x2b: {  	_ = 	snop  }
0x2c: {  	[tilespmem:s25], [sflag:$0x1] =	stream.indirect.gather [hbm4b:s5+s11], $0x20, s24, s11, $0xb8;
	[tilespmem:$0x1B580] =	vst v63  }
0x2d: {  	_ = 	snop  }
0x2e: {  	[tilespmem:s28], [sflag:$0x1] =	stream.indirect.gather [hbm4b:s5+s11], $0x20, s26, s11, $0xb8;
	[tilespmem:$0x1B580] =	vst v63  }
0x2f: {  	_ = 	snop  }
0x30: {  	[tilespmem:s30], [sflag:$0x1] =	stream.indirect.gather [hbm4b:s5+s11], $0x20, s29, s11, $0xb8;
	[tilespmem:$0x1B580] =	vst v63  }
0x31: {  	_ = 	snop  }
0x32: {  	[tilespmem:s0], [sflag:$0x1] =	stream.indirect.gather [hbm4b:s5+s11], $0x20, s31, s11, $0xb8;
	[tilespmem:$0x1B580] =	vst v63  }
0x33: {  	_ = 	snop  }
0x34: {  	[tilespmem:s9], [sflag:$0x1] =	stream.indirect.gather [hbm4b:s5+s11], $0x20, s3, s11, $0xb8;
	[tilespmem:$0x1B580] =	vst v63  }
0x35: {  	_ = 	snop  }
0x36: {  	[tilespmem:s8], [sflag:$0x1] =	stream.indirect.gather [hbm4b:s5+s11], $0x20, s6, s11, $0xb8;
	[tilespmem:$0x1B580] =	vst v63  }
0x37: {  	_ = 	snop  }
0x38: {  	[tilespmem:s2], [sflag:$0x1] =	stream.indirect.gather [hbm4b:s5+s11], $0x20, s1, s11, $0xb8;
	[tilespmem:$0x1B580] =	vst v63  }
0x39: {  	_ = 	snop  }
0x3a: {  	[tilespmem:s14], [sflag:$0x1] =	stream.indirect.gather [hbm4b:s5+s11], $0x20, s13, s11, $0xb8;
	[tilespmem:$0x1B580] =	vst v63  }
0x3b: {  	_ = 	snop  }
0x3c: {  	[tilespmem:s16], [sflag:$0x1] =	stream.indirect.gather [hbm4b:s5+s11], $0x20, s15, s11, $0xb8;
	[tilespmem:$0x1B580] =	vst v63  }
0x3d: {  	_ =	swait.ge [sflag:s17], $0x1900  }
0x3e: {  	[sflag:s17] =	ssyncset.done $0x0  }
0x3f: {  	[sflag:s17] =	ssyncadd.s32 $0xFFFFE700  }
0x40: {  	_ =	swait.ge [sflag:s17], $0x1900  }
0x41: {  	[sflag:s17] =	ssyncset.done $0x0  }
0x42: {  	[sflag:s17] =	ssyncadd.s32 $0xFFFFE700  }
0x43: {  	_ =	swait.ge [sflag:s17], $0x1900  }
0x44: {  	[sflag:s17] =	ssyncset.done $0x0  }
0x45: {  	[sflag:s17] =	ssyncadd.s32 $0xFFFFE700  }
0x46: {  	_ =	swait.ge [sflag:s17], $0x1900  }
0x47: {  	[sflag:s17] =	ssyncset.done $0x0  }
0x48: {  	[sflag:s17] =	ssyncadd.s32 $0xFFFFE700  }
0x49: {  	_ =	swait.ge [sflag:s17], $0x1900  }
0x4a: {  	[sflag:s17] =	ssyncset.done $0x0  }
0x4b: {  	[sflag:s17] =	ssyncadd.s32 $0xFFFFE700  }
0x4c: {  	_ =	swait.ge [sflag:s17], $0x1900  }
0x4d: {  	[sflag:s17] =	ssyncset.done $0x0  }
0x4e: {  	[sflag:s17] =	ssyncadd.s32 $0xFFFFE700  }
0x4f: {  	_ =	swait.ge [sflag:s17], $0x1900  }
0x50: {  	[sflag:s17] =	ssyncset.done $0x0  }
0x51: {  	[sflag:s17] =	ssyncadd.s32 $0xFFFFE700  }
0x52: {  	_ =	swait.ge [sflag:s17], $0x1900  }
0x53: {  	[sflag:s17] =	ssyncset.done $0x0  }
0x54: {  	[sflag:s17] =	ssyncadd.s32 $0xFFFFE700  }
0x55: {  	_ =	swait.ge [sflag:s17], $0x1900  }
0x56: {  	[sflag:s17] =	ssyncset.done $0x0  }
0x57: {  	[sflag:s17] =	ssyncadd.s32 $0xFFFFE700  }
0x58: {  	_ =	swait.ge [sflag:s17], $0x1900  }
0x59: {  	[sflag:s17] =	ssyncset.done $0x0  }
0x5a: {  	[sflag:s17] =	ssyncadd.s32 $0xFFFFE700  }
0x5b: {  	_ =	swait.ge [sflag:s17], $0x1900  }
0x5c: {  	[sflag:s17] =	ssyncset.done $0x0  }
0x5d: {  	[sflag:s17] =	ssyncadd.s32 $0xFFFFE700  }
0x5e: {  	_ =	swait.ge [sflag:s17], $0x1900  }
0x5f: {  	[sflag:s17] =	ssyncset.done $0x0  }
0x60: {  	[sflag:s17] =	ssyncadd.s32 $0xFFFFE700  }
0x61: {  	_ =	swait.ge [sflag:s17], $0x1900  }
0x62: {  	[sflag:s17] =	ssyncset.done $0x0  }
0x63: {  	[sflag:s17] =	ssyncadd.s32 $0xFFFFE700  }
0x64: {  	_ =	swait.ge [sflag:s17], $0x1900  }
0x65: {  	[sflag:s17] =	ssyncset.done $0x0  }
0x66: {  	[sflag:s17] =	ssyncadd.s32 $0xFFFFE700  }
0x67: {  	_ =	swait.ge [sflag:s17], $0x1900  }
0x68: {  	[sflag:s17] =	ssyncset.done $0x0  }
0x69: {  	[sflag:s17] =	ssyncadd.s32 $0xFFFFE700  }
0x6a: {  	_ =	swait.ge [sflag:s17], $0x1900  }
0x6b: {  	[sflag:s17] =	ssyncset.done $0x0  }
0x6c: {  	s20 =	simm.s32 $0x0;
	[sflag:s17] =	ssyncadd.s32 $0xFFFFE700  }
0x6d: {  	v1 =	vld [tilespmem:s20+$0x19C80]  }
0x6e: {  	v0 =	vld [tilespmem:s20+$0x19C90]  }
0x6f: {  	v2 =	vld [tilespmem:s20+$0xC80]  }
0x70: {  	v3 =	vld [tilespmem:s20+$0xC90]  }
0x71: {  	v4 =	vld [tilespmem:s20+$0x2580]  }
0x72: {  	v5 =	vld [tilespmem:s20+$0x2590]  }
0x73: {  	v6 =	vld [tilespmem:s20+$0x3E80]  }
0x74: {  	v7 =	vld [tilespmem:s20+$0x3E90];
	v2 =	vmul.f32 $5.656854150e+00, v2  }
0x75: {  	v8 =	vld [tilespmem:s20+$0x5780];
	v3 =	vmul.f32 $5.656854150e+00, v3  }
0x76: {  	v9 =	vld [tilespmem:s20+$0x5790];
	v4 =	vmul.f32 $5.656854150e+00, v4;
	v2 =	vadd.f32 v2, v1  }
0x77: {  	v10 =	vld [tilespmem:s20+$0x7080];
	v5 =	vmul.f32 $5.656854150e+00, v5;
	v3 =	vadd.f32 v3, v0  }
0x78: {  	v6 =	vmul.f32 $5.656854150e+00, v6;
	v4 =	vadd.f32 v4, v1;
	[tilespmem:s20+$0xC80] =	vst v2;
	v2 =	vld [tilespmem:s20+$0x7090]  }
0x79: {  	v7 =	vmul.f32 $5.656854150e+00, v7;
	v5 =	vadd.f32 v5, v0;
	[tilespmem:s20+$0xC90] =	vst v3;
	v3 =	vld [tilespmem:s20+$0x8980]  }
0x7a: {  	v8 =	vmul.f32 $5.656854150e+00, v8;
	v6 =	vadd.f32 v6, v1;
	[tilespmem:s20+$0x2580] =	vst v4;
	v4 =	vld [tilespmem:s20+$0x8990]  }
0x7b: {  	v9 =	vmul.f32 $5.656854150e+00, v9;
	v7 =	vadd.f32 v7, v0;
	[tilespmem:s20+$0x2590] =	vst v5;
	v5 =	vld [tilespmem:s20+$0xA280]  }
0x7c: {  	v10 =	vmul.f32 $5.656854150e+00, v10;
	v8 =	vadd.f32 v8, v1;
	[tilespmem:s20+$0x3E80] =	vst v6;
	v6 =	vld [tilespmem:s20+$0xA290]  }
0x7d: {  	v9 =	vadd.f32 v9, v0;
	[tilespmem:s20+$0x3E90] =	vst v7;
	v7 =	vld [tilespmem:s20+$0xBB80];
	v2 =	vmul.f32 $5.656854150e+00, v2  }
0x7e: {  	v10 =	vadd.f32 v10, v1;
	[tilespmem:s20+$0x5780] =	vst v8;
	v8 =	vld [tilespmem:s20+$0xBB90];
	v3 =	vmul.f32 $5.656854150e+00, v3  }
0x7f: {  	[tilespmem:s20+$0x5790] =	vst v9;
	v9 =	vld [tilespmem:s20+$0xD480];
	v4 =	vmul.f32 $5.656854150e+00, v4;
	v2 =	vadd.f32 v2, v0  }
0x80: {  	[tilespmem:s20+$0x7080] =	vst v10;
	v5 =	vmul.f32 $5.656854150e+00, v5;
	v3 =	vadd.f32 v3, v1  }
0x81: {  	v10 =	vld [tilespmem:s20+$0xD490];
	v6 =	vmul.f32 $5.656854150e+00, v6;
	v4 =	vadd.f32 v4, v0;
	[tilespmem:s20+$0x7090] =	vst v2  }
0x82: {  	v7 =	vmul.f32 $5.656854150e+00, v7;
	v5 =	vadd.f32 v5, v1;
	v2 =	vld [tilespmem:s20+$0xED80];
	[tilespmem:s20+$0x8980] =	vst v3  }
0x83: {  	v8 =	vmul.f32 $5.656854150e+00, v8;
	v6 =	vadd.f32 v6, v0;
	v3 =	vld [tilespmem:s20+$0xED90];
	[tilespmem:s20+$0x8990] =	vst v4  }
0x84: {  	v9 =	vmul.f32 $5.656854150e+00, v9;
	v7 =	vadd.f32 v7, v1;
	v4 =	vld [tilespmem:s20+$0x10680];
	[tilespmem:s20+$0xA280] =	vst v5  }
0x85: {  	v8 =	vadd.f32 v8, v0;
	v5 =	vld [tilespmem:s20+$0x10690];
	[tilespmem:s20+$0xA290] =	vst v6  }
0x86: {  	v10 =	vmul.f32 $5.656854150e+00, v10;
	v9 =	vadd.f32 v9, v1;
	v6 =	vld [tilespmem:s20+$0x11F80];
	[tilespmem:s20+$0xBB80] =	vst v7  }
0x87: {  	v7 =	vld [tilespmem:s20+$0x11F90];
	[tilespmem:s20+$0xBB90] =	vst v8;
	v2 =	vmul.f32 $5.656854150e+00, v2  }
0x88: {  	v10 =	vadd.f32 v10, v0;
	v8 =	vld [tilespmem:s20+$0x13880];
	[tilespmem:s20+$0xD480] =	vst v9;
	v9 =	vmul.f32 $5.656854150e+00, v3  }
0x89: {  	v11 =	vld [tilespmem:s20+$0x13890];
	v4 =	vmul.f32 $5.656854150e+00, v4;
	v2 =	vadd.f32 v2, v1  }
0x8a: {  	[tilespmem:s20+$0xD490] =	vst v10;
	v3 =	vld [tilespmem:s20+$0x15180];
	v5 =	vmul.f32 $5.656854150e+00, v5;
	v9 =	vadd.f32 v9, v0  }
0x8b: {  	v6 =	vmul.f32 $5.656854150e+00, v6;
	v10 =	vadd.f32 v4, v1;
	[tilespmem:s20+$0xED80] =	vst v2;
	v2 =	vld [tilespmem:s20+$0x15190]  }
0x8c: {  	v7 =	vmul.f32 $5.656854150e+00, v7;
	v4 =	vld [tilespmem:s20+$0x16A80];
	v12 =	vadd.f32 v5, v0;
	[tilespmem:s20+$0xED90] =	vst v9  }
0x8d: {  	v5 =	vld [tilespmem:s20+$0x16A90];
	[tilespmem:s20+$0x10680] =	vst v10;
	v9 =	vadd.f32 v6, v1;
	v10 =	vmul.f32 $5.656854150e+00, v8  }
0x8e: {  	s21 =	simm.s32 $0x80;
	v7 =	vadd.f32 v7, v0;
	[tilespmem:s20+$0x10690] =	vst v12;
	v8 =	vmul.f32 $5.656854150e+00, v11;
	v6 =	vld [tilespmem:s20+$0x18380]  }
.LBB2_3:
0x8f: {  	s22 =	sshra.s32 s21, $0x2;
	p0 =	sne.s32 s21, $0x6380;
	[tilespmem:s20+$0x11F80] =	vst v9;
	v9 =	vadd.f32 v10, v1;
	v3 =	vmul.f32 $5.656854150e+00, v3;
	v10 =	vld [tilespmem:s20+$0x18390]  }
0x90: {  	v11 =	vld [tilespmem:s22+$0x19C80];
	[tilespmem:s20+$0x11F90] =	vst v7;
	v7 =	vadd.f32 v8, v0;
	v2 =	vmul.f32 $5.656854150e+00, v2  }
0x91: {  	v8 =	vld [tilespmem:s22+$0x19C90];
	[tilespmem:s20+$0x13880] =	vst v9;
	v3 =	vadd.f32 v3, v1;
	v4 =	vmul.f32 $5.656854150e+00, v4  }
0x92: {  	v9 =	vld [tilespmem:s22+$0xC80];
	[tilespmem:s20+$0x13890] =	vst v7;
	v2 =	vadd.f32 v2, v0;
	v5 =	vmul.f32 $5.656854150e+00, v5  }
0x93: {  	v7 =	vld [tilespmem:s22+$0xC90];
	[tilespmem:s20+$0x15180] =	vst v3;
	v3 =	vadd.f32 v4, v1;
	v4 =	vmul.f32 $5.656854150e+00, v6  }
0x94: {  	v6 =	vld [tilespmem:s22+$0x2580];
	[tilespmem:s20+$0x15190] =	vst v2;
	v2 =	vadd.f32 v5, v0;
	v5 =	vmul.f32 $5.656854150e+00, v10  }
0x95: {  	v10 =	vld [tilespmem:s22+$0x2590];
	[tilespmem:s20+$0x16A80] =	vst v3;
	v3 =	vadd.f32 v4, v1;
	v1 =	vmov v11  }
0x96: {  	v4 =	vld [tilespmem:s22+$0x3E80];
	[tilespmem:s20+$0x16A90] =	vst v2;
	v2 =	vadd.f32 v5, v0;
	v0 =	vmov v8  }
0x97: {  	v5 =	vmul.f32 $5.656854150e+00, v9;
	v8 =	vld [tilespmem:s22+$0x3E90];
	[tilespmem:s20+$0x18380] =	vst v3  }
0x98: {  	v3 =	vmul.f32 $5.656854150e+00, v7;
	v7 =	vld [tilespmem:s22+$0x5780];
	[tilespmem:s20+$0x18390] =	vst v2;
	s20 =	smov.u32 s22  }
0x99: {  	v2 =	vadd.f32 v5, v1;
	v5 =	vmul.f32 $5.656854150e+00, v6;
	v6 =	vld [tilespmem:s20+$0x5790]  }
0x9a: {  	v3 =	vadd.f32 v3, v0;
	v9 =	vmul.f32 $5.656854150e+00, v10;
	v10 =	vld [tilespmem:s20+$0x7080]  }
0x9b: {  	[tilespmem:s20+$0xC80] =	vst v2;
	v2 =	vadd.f32 v5, v1;
	v4 =	vmul.f32 $5.656854150e+00, v4;
	v5 =	vld [tilespmem:s20+$0x7090]  }
0x9c: {  	[tilespmem:s20+$0xC90] =	vst v3;
	v3 =	vadd.f32 v9, v0;
	v8 =	vmul.f32 $5.656854150e+00, v8;
	v9 =	vld [tilespmem:s20+$0x8980]  }
0x9d: {  	[tilespmem:s20+$0x2580] =	vst v2;
	v2 =	vadd.f32 v4, v1;
	v4 =	vmul.f32 $5.656854150e+00, v7;
	v7 =	vld [tilespmem:s20+$0x8990]  }
0x9e: {  	[tilespmem:s20+$0x2590] =	vst v3;
	v3 =	vadd.f32 v8, v0;
	v6 =	vmul.f32 $5.656854150e+00, v6;
	v8 =	vld [tilespmem:s20+$0xA280]  }
0x9f: {  	[tilespmem:s20+$0x3E80] =	vst v2;
	v2 =	vadd.f32 v4, v1;
	v4 =	vmul.f32 $5.656854150e+00, v10;
	v10 =	vld [tilespmem:s20+$0xA290]  }
0xa0: {  	[tilespmem:s20+$0x3E90] =	vst v3;
	v3 =	vadd.f32 v6, v0;
	v5 =	vmul.f32 $5.656854150e+00, v5;
	v6 =	vld [tilespmem:s20+$0xBB80]  }
0xa1: {  	[tilespmem:s20+$0x5780] =	vst v2;
	v2 =	vadd.f32 v4, v1;
	v4 =	vmul.f32 $5.656854150e+00, v9;
	v9 =	vld [tilespmem:s20+$0xBB90]  }
0xa2: {  	[tilespmem:s20+$0x5790] =	vst v3;
	v3 =	vadd.f32 v5, v0;
	v5 =	vmul.f32 $5.656854150e+00, v7;
	v7 =	vld [tilespmem:s20+$0xD480]  }
0xa3: {  	[tilespmem:s20+$0x7080] =	vst v2;
	v2 =	vadd.f32 v4, v1;
	v4 =	vmul.f32 $5.656854150e+00, v8;
	v8 =	vld [tilespmem:s20+$0xD490]  }
0xa4: {  	[tilespmem:s20+$0x7090] =	vst v3;
	v3 =	vadd.f32 v5, v0;
	v5 =	vmul.f32 $5.656854150e+00, v10;
	v10 =	vld [tilespmem:s20+$0xED80]  }
0xa5: {  	[tilespmem:s20+$0x8980] =	vst v2;
	v2 =	vadd.f32 v4, v1;
	v4 =	vmul.f32 $5.656854150e+00, v6;
	v6 =	vld [tilespmem:s20+$0xED90]  }
0xa6: {  	[tilespmem:s20+$0x8990] =	vst v3;
	v3 =	vadd.f32 v5, v0;
	v5 =	vmul.f32 $5.656854150e+00, v9;
	v9 =	vld [tilespmem:s20+$0x10680]  }
0xa7: {  	[tilespmem:s20+$0xA280] =	vst v2;
	v2 =	vadd.f32 v4, v1;
	v4 =	vmul.f32 $5.656854150e+00, v7;
	v7 =	vld [tilespmem:s20+$0x10690]  }
0xa8: {  	[tilespmem:s20+$0xA290] =	vst v3;
	v3 =	vadd.f32 v5, v0;
	v5 =	vmul.f32 $5.656854150e+00, v8;
	v8 =	vld [tilespmem:s20+$0x11F80]  }
0xa9: {  	[tilespmem:s20+$0xBB80] =	vst v2;
	v2 =	vadd.f32 v4, v1;
	v4 =	vmul.f32 $5.656854150e+00, v10;
	v10 =	vld [tilespmem:s20+$0x11F90]  }
0xaa: {  	[tilespmem:s20+$0xBB90] =	vst v3;
	v3 =	vadd.f32 v5, v0;
	v5 =	vmul.f32 $5.656854150e+00, v6;
	v6 =	vld [tilespmem:s20+$0x13880]  }
0xab: {  	[tilespmem:s20+$0xD480] =	vst v2;
	v2 =	vadd.f32 v4, v1;
	v4 =	vmul.f32 $5.656854150e+00, v9;
	v11 =	vld [tilespmem:s20+$0x13890]  }
.Ltmp0:
0xac: {  	[tilespmem:s20+$0xD490] =	vst v3;
	v5 =	vadd.f32 v5, v0;
	v7 =	vmul.f32 $5.656854150e+00, v7;
	v3 =	vld [tilespmem:s20+$0x15180];
	(pc) =	sbr.rel @p0 .LBB2_3-.Ltmp0, $4  }
0xad: {  	[tilespmem:s20+$0xED80] =	vst v2;
	v9 =	vadd.f32 v4, v1;
	v8 =	vmul.f32 $5.656854150e+00, v8;
	v2 =	vld [tilespmem:s20+$0x15190]  }
0xae: {  	[tilespmem:s20+$0xED90] =	vst v5;
	v7 =	vadd.f32 v7, v0;
	v12 =	vmul.f32 $5.656854150e+00, v10;
	v4 =	vld [tilespmem:s20+$0x16A80]  }
0xaf: {  	[tilespmem:s20+$0x10680] =	vst v9;
	v9 =	vadd.f32 v8, v1;
	v10 =	vmul.f32 $5.656854150e+00, v6;
	v5 =	vld [tilespmem:s20+$0x16A90]  }
0xb0: {  	s21 =	sadd.s32 $0x80, s21;
	[tilespmem:s20+$0x10690] =	vst v7;
	v7 =	vadd.f32 v12, v0;
	v8 =	vmul.f32 $5.656854150e+00, v11;
	v6 =	vld [tilespmem:s20+$0x18380]  }
0xb1: {  	[tilespmem:s20+$0x11F80] =	vst v9;
	v55 =	vadd.f32 v10, v1;
	v3 =	vmul.f32 $5.656854150e+00, v3;
	v56 =	vld [tilespmem:s20+$0x18390]  }
0xb2: {  	[tilespmem:s20+$0x11F90] =	vst v7;
	v57 =	vadd.f32 v8, v0;
	v2 =	vmul.f32 $5.656854150e+00, v2  }
0xb3: {  	[tilespmem:s20+$0x13880] =	vst v55;
	v3 =	vadd.f32 v3, v1;
	v4 =	vmul.f32 $5.656854150e+00, v4  }
0xb4: {  	[tilespmem:s20+$0x13890] =	vst v57;
	v2 =	vadd.f32 v2, v0;
	v5 =	vmul.f32 $5.656854150e+00, v5  }
0xb5: {  	[tilespmem:s20+$0x15180] =	vst v3;
	v58 =	vadd.f32 v4, v1;
	v59 =	vmul.f32 $5.656854150e+00, v6  }
0xb6: {  	[tilespmem:s20+$0x15190] =	vst v2;
	v60 =	vadd.f32 v5, v0;
	v61 =	vmul.f32 $5.656854150e+00, v56  }
0xb7: {  	[tilespmem:s20+$0x16A80] =	vst v58;
	v62 =	vadd.f32 v59, v1  }
0xb8: {  	s19 =	smul.u32 $0x320, s19;
	s18 =	sadd.s32 $0x1, s18;
	[tilespmem:s20+$0x16A90] =	vst v60;
	v63 =	vadd.f32 v61, v0  }
0xb9: {  	s21 =	rddreg [dreg:$0x1];
	p0 =	sne.s32 s18, $0x8;
	[tilespmem:s20+$0x18380] =	vst v62  }
.Ltmp1:
0xba: {  	s22 =	simm.s32 $0x0;
	s19 =	sadd.s32 s21, s19;
	[tilespmem:s20+$0x18390] =	vst v63;
	(pc) =	sbr.rel @p0 .LBB2_2-.Ltmp1, $4  }
0xbb: {  	[hbm4b:s19+s22] =	stream.linear.scatter [tilespmem:s12], [sflag:$0x2], $0x19000, $0x38;
	[tilespmem:$0x1B580] =	vst v63  }
0xbc: {  	_ =	swait.ge [sflag:s10], $0x19000  }
0xbd: {  	[sflag:s10] =	ssyncset.done $0x0  }
0xbe: {  	[sflag:s10] =	ssyncadd.s32 $0xFFFE7000  }
0xbf: {  	s19 =	rddreg [dreg:$0x5]  }
0xc0: {  	s18 =	rddreg [dreg:$0x4];
	s19 =	sadd.s32 $0x1, s19  }
0xc1: {  	p0 =	sne.s32 s19, s18  }
.Ltmp2:
0xc2: {  	_ = 	snop;
	(pc) =	sbr.rel @p0 .LBB2_1-.Ltmp2, $1  }
0xc3: {  	_ =	sdelay $0x3  }
0xc4: {  	_ =	sfence.sel $0x180000  }
0xc5: {  	[bflag:$0x0] =	sbarrier.arrive $0xFFFF  }
0xc6: {  	_ =	strace $0x90000047  }
0xc7: {  	s0 =	stileid.u32;
	[bflag:$0x2] =	sbarrier.arrive $0xFFFF  }
0xc8: {  	p0 =	sne.s32 s0, $0x0;
	s0 =	rddreg [dreg:$0x2]  }
0xc9: {  	s0 =	sadd.s32 @!p0 $0x100000, s0  }
0xca: {  	[sflag:s0] =	ssyncadd.tile.s32 @!p0 $0x1;
	_ =	shalt  }
.Lfunc_end2:
_tile_overlayer_lowered:
.L_overlay_start_2:
0xcb: {  	(tag) =	ssettag $0x2  }
0xcc: {  	s0 =	rddreg [dreg:$0x0];
	s2 =	stileid.u32  }
0xcd: {  	s1 =	rddreg [dreg:$0x1];
	p0 =	sne.s32 s2, $0x0  }
0xce: {  	s3 =	rddreg [dreg:$0x2];
	[bflag:$0x3] =	sbarrier.arrive $0xFFFF;
	s2 =	simm.s32 @!p0 $0x1C02  }
0xcf: {  	[timem:s3], [sflag:s2] =	dma.local @!p0 [hbm:s0], s1  }
0xd0: {  	s0 =	simm.s32 @!p0 $0x2  }
0xd1: {  	_ =	swait.ge @!p0 [sflag:s0], s1  }
0xd2: {  	s1 =	ssub.s32 @!p0 $0x0, s1;
	[sflag:s0] =	ssyncset.done @!p0 $0x0  }
0xd3: {  	[sflag:s0] =	ssyncadd.s32 @!p0 s1  }
0xd4: {  	[bflag:$0x3] =	sbarrier.arrive $0xFFFF  }
0xd5: {  	_ =	shalt  }

// kernel: sparse-core-data-format-call.cloned.1.call-start
scs
called_computation_lowered:
.L_overlay_start_0:
0x0: {  	s2 =	sld [smem:$0x3FD9]  }
0x1: {  	s3 =	sld [smem:$0x3FFE];
	_ =	sdelay $0x1  }
0x2: {  	s1 =	srdreg.scid  }
0x3: {  	s0 =	sand.u32 $0x1, s1  }
0x4: {  	s18 =	sshll.u32 s0, $0xA;
	s2 =	sadd.s32 s3, s2  }
0x5: {  	s2 =	sadd.s32 s2, s18  }
0x6: {  	[smem:$0x3FC5] =	sst s2  }
0x7: {  	_ = 	snop  }
0x8: {  	s2 =	sld [smem:$0x3FD0];
	(tm) =	ssettm $0x1  }
0x9: {  	s19 =	sld [smem:$0x3FFB];
	_ =	sdelay $0x3  }
0xa: {  	_ =	strace s19  }
0xb: {  	s3 =	sld [smem:$0x3FFC];
	_ =	sdelay $0x3  }
0xc: {  	_ =	strace s3  }
0xd: {  	s3 =	sld [smem:$0x3FFD];
	_ =	sdelay $0x3  }
0xe: {  	_ =	strace s3  }
0xf: {  	_ =	strace $0x8FFFFFFF  }
0x10: {  	s20 =	sld [smem:$0x3FDB];
	_ =	sdelay $0x1  }
0x11: {  	s4 =	simm.s32 $_scs_section_size  }
0x12: {  	s5 =	simm.s32 $_size__tile_overlayer_lowered;
	s6 =	simm.s32 $_tile_overlayer_lowered  }
0x13: {  	s23 =	simm.s32 $0x1BFF;
	s22 =	sshll.u32 s6, $0x1;
	s3 =	sadd.s32 s4, s20  }
0x14: {  	s7 =	simm.s32 $0x0;
	s21 =	sshll.u32 s5, $0x1;
	s5 =	sadd.s32 s22, s3  }
0x15: {  	[timem:s7], [sflag:s23] =	dma.local [hbm:s5], s21  }
0x16: {  	_ =	swait.ge [sflag:s23], s21  }
0x17: {  	s4 =	ssub.s32 $0x0, s21;
	[sflag:s23] =	ssyncset.done $0x0  }
0x18: {  	[sflag:s23] =	ssyncadd.s32 s4;
	_ =	sdelay $0x1  }
0x19: {  	s24 =	simm.s32 $0x1B8B  }
0x1a: {  	_ =	swait.ge [sflag:s24], $0x1  }
0x1b: {  	[sflag:s24] =	ssyncset.done $0x0  }
0x1c: {  	s26 =	simm.s32 $0x1B8E;
	s25 =	sld [smem:$0x3FFE];
	[sflag:s24] =	ssyncadd.s32 $0xFFFFFFFF  }
0x1d: {  	s27 =	simm.s32 $execute0_lowered;
	[smem:$0x3FD2] =	sst s26  }
0x1e: {  	s5 =	sshll.u32 s27, $0x1;
	_ =	strace $0x80000049;
	[dreg:$0x1] =	wrdreg $0xFFFFFFFF  }
0x1f: {  	s28 =	simm.s32 $_size_execute0_lowered;
	s3 =	sadd.s32 s3, s5;
	[dreg:$0x0] =	wrdreg $0x0  }
0x20: {  	s5 =	sshll.u32 s28, $0x1;
	[dreg:$0x2] =	wrdreg s3  }
0x21: {  	[dreg:$0x3] =	wrdreg s5  }
0x22: {  	[dreg:$0x4] =	wrdreg $0xC0  }
0x23: {  	_ =	task [dreg:s7], $0x5FFFF  }
0x24: {  	[dreg:$0x1] =	wrdreg $0xFFFFFFFF  }
0x25: {  	[dreg:$0x0] =	wrdreg $0x60  }
0x26: {  	[dreg:$0x2] =	wrdreg s25  }
0x27: {  	[dreg:$0x3] =	wrdreg s2  }
0x28: {  	[dreg:$0x4] =	wrdreg $0x9  }
0x29: {  	_ =	task.clear_ibuf [dreg:s7], $0x5FFFF;
	_ =	strace $0x90000049  }
0x2a: {  	s29 =	simm.s32 $0x9;
	_ =	strace $0x8000004B  }
0x2b: {  	_ =	swait.ge [sflag:s29], $0x1  }
0x2c: {  	[sflag:s29] =	ssyncadd.s32 $0xFFFFFFFF  }
0x2d: {  	_ =	strace $0x9000004B  }
0x2e: {  	_ =	sfence  }
0x2f: {  	s30 =	sld [smem:$0x0];
	_ =	sdelay $0x2  }
0x30: {  	s31 =	sshll.u32 s1, $0xD;
	s1 =	sshrl.u32 s1, $0x2  }
0x31: {  	s3 =	sand.u32 $0x4000, s31;
	s1 =	sadd.s32 s1, s30  }
0x32: {  	s0 =	sor.u32 s3, s0;
	s1 =	sshll.u32 s1, $0x11  }
0x33: {  	s0 =	sor.u32 s1, s0  }
0x34: {  	s0 =	sadd.s32 $0x8F2B, s0  }
0x35: {  	[sflag:s0] =	ssyncadd.remote.s32 $0x1  }
0x36: {  	_ =	sfence.sel $0xFFFF  }
0x37: {  	[dreg:$0x0] =	wrdreg $0xFFFFFFFF;
	(pc) =	sbr.abs _section_cstart, $3  }
0x38: {  	[dreg:$0x1] =	wrdreg $0xFFFFFFFF  }
0x39: {  	_ =	task.clear_ibuf [dreg:s7], $0x2FFFF;
	_ =	strace $0x9FFFFFFF  }
0x3a: {  	(tm) =	ssettm $0x7FFFFFFF  }
0x3b: {  	_ =	shalt  }
tec
execute0_lowered:
.L_overlay_start_1:
0x0: {  	(tag) =	ssettag $0x1  }
0x1: {  	s0 =	srdreg.scid  }
0x2: {  	s1 =	sshll.u32 s0, $0x4  }
0x3: {  	s0 =	stileid.u32;
	s1 =	sand.u32 $0x10, s1  }
0x4: {  	s1 =	sor.u32 s0, s1  }
0x5: {  	s6 =	rddreg [dreg:$0x0];
	s4 =	simm.s32 $0x1;
	s2 =	sshll.u32 s1, $0x7  }
0x6: {  	s7 =	simm.s32 $0x2;
	s12 =	simm.s32 $0x0;
	s1 =	ssub.s32 $0x1000, s2  }
0x7: {  	s8 =	simm.s32 $0x8000;
	s13 =	simm.s32 $0x0;
	s3 =	sand.u32 $0xF80, s1  }
0x8: {  	s9 =	simm.s32 $0x0;
	s5 =	sshrl.u32 s1, $0xC;
	p0 =	sne.s32 s3, $0x0  }
.Ltmp0:
0x9: {  	s1 =	rddreg [dreg:$0x2];
	s4 =	simm.s32 @!p0 $0x0;
	(pc) =	sbr.rel .LBB1_1-.Ltmp0, $4  }
0xa: {  	s11 =	simm.s32 $0x0;
	s3 =	rddreg [dreg:$0x1];
	s5 =	sadd.s32 s4, s5  }
0xb: {  	_ =	strace $0x8000004A;
	s4 =	simm.s32 $0x1;
	s5 =	smul.u32 $0xC8, s5  }
0xc: {  	s6 =	sadd.s32 $0xC00, s6;
	s10 =	smov.u32 s2;
	[sflag:s4] =	ssyncpa.u1 $0x0  }
0xd: {  	p0 =	por $0x0, $0x0;
	[sflag:s7] =	ssyncpa.u1 $0x0;
	s7 =	sor.u32 $0x1, s5  }
.LBB1_4:
0xe: {  	s16 =	sshll.u32 s13, $0x3;
	s17 =	sand.u32 $0x78, s13  }
0xf: {  	s30 =	sand.u32 $0x3E00, s13;
	s12 =	sshll.u32 s12, $0xE;
	s16 =	sand.u32 $0xC00, s16  }
0x10: {  	s31 =	sand.u32 $0x7, s13;
	s16 =	sor.u32 s17, s16;
	s17 =	sadd.s32 s3, s30  }
0x11: {  	s13 =	sshll.u32 s31, $0x12;
	s16 =	sshrl.u32 s16, $0x3;
	s12 =	sadd.s32 s12, s17  }
0x12: {  	[tilespmem:s15+$0x0 ss:$0x81] =	vst.msk $0xffff, v0;
	s13 =	sor.u32 $0x400, s13;
	s12 =	sadd.s32 s16, s12  }
0x13: {  	[hbm4b:s12+s13] =	stream.strided.scatter [tilespmem:s14], [sflag:$0x2], $0x1000, s8, s13, $0x20;
	[tilespmem:$0x4040] =	vst v63  }
.LBB1_5:
0x14: {  	s14 =	sadd.s32 $0x1, s9  }
0x15: {  	s12 =	sadd.s32 $0x1000, s10;
	s16 =	smov.u32 s10;
	p2 =	sgt.s32 s14, $0xC7  }
0x16: {  	s16 =	smov.u32 @p2 s12  }
0x17: {  	s14 =	simm.s32 @p2 $0x0;
	p2 =	sgt.s32 s16, $0xFFF  }
0x18: {  	s16 =	smov.u32 @p2 s2;
	p2 =	sne.s32 s11, s7  }
.Ltmp1:
0x19: {  	p1 =	slt.u32 s11, $0x2;
	(pc) =	sbr.rel @!p2 .LBB1_6-.Ltmp1, $4  }
0x1a: {  	s15 =	simm.s32 @!p1 $0x2  }
0x1b: {  	s13 =	smov.u32 s10;
	p0 =	por !p0, !p0;
	_ =	swait.ge @!p1 [sflag:s15], $0x1000  }
0x1c: {  	s12 =	smov.u32 s9;
	[sflag:s15] =	ssyncset.done @!p1 $0x0;
	s9 =	smov.u32 s14  }
0x1d: {  	s11 =	sadd.s32 $0x1, s11;
	[sflag:s15] =	ssyncadd.s32 @!p1 $0xFFFFF000;
	s10 =	smov.u32 s16  }
.LBB1_1:
0x1e: {  	p1 =	sge.u32 s11, s5  }
0x1f: {  	s14 =	sand.u32 @!p1 $0x1FFFFFF, s9  }
0x20: {  	s15 =	smulhi.u32 @!p1 $0x147AE15, s14;
	_ =	sdelay $0x1  }
0x21: {  	s15 =	smul.u32 @!p1 $0xC8, s15  }
0x22: {  	s16 =	sxor.u32 @!p1 $0xFFFFFFFF, s11;
	s17 =	smul.u32 @!p1 $0xC80, s10  }
0x23: {  	s31 =	sadd.s32 $0xFFFFFFFF, s11;
	s16 =	sshll.u32 @!p1 s16, $0xC;
	s14 =	ssub.s32 @!p1 s14, s15  }
0x24: {  	s15 =	sand.u32 @!p1 $0x1000, s16;
	s16 =	sadd.s32 @!p1 s6, s17;
	s14 =	sshll.u32 @!p1 s14, $0x4  }
0x25: {  	s17 =	simm.s32 @!p1 $0x6400;
	s14 =	sadd.s32 @!p1 s14, s16;
	s16 =	simm.s32 @!p1 $0x20  }
0x26: {  	[tilespmem:s15], [sflag:$0x1] =	stream.strided.gather @!p1 [hbm4b:s14+s16], $0x1000, s17, s16, $0x38;
	[tilespmem:$0x4040] =	vst v63  }
0x27: {  	p1 =	sge.u32 s31, s5  }
.Ltmp2:
0x28: {  	_ = 	snop;
	(pc) =	sbr.rel @p1 .LBB1_5-.Ltmp2, $1  }
0x29: {  	_ =	sdelay $0x3  }
0x2a: {  	s14 =	simm.s32 $0x1  }
0x2b: {  	_ =	swait.ge [sflag:s4], $0x1000;
	s14 =	simm.s32 @!p0 $0x0  }
0x2c: {  	[sflag:s4] =	ssyncset.done $0x0;
	s15 =	sshll.u32 s14, $0xC  }
0x2d: {  	[sflag:s4] =	ssyncadd.s32 $0xFFFFF000;
	s18 =	sor.u32 $0x10, s15  }
0x2e: {  	s14 =	smul.u32 $0x4080, s14;
	v1 =	vld [tilespmem:s18+$0x0]  }
0x2f: {  	s30 =	sand.u32 $0x1, s11;
	v0 =	vld [tilespmem:s18+$0xFFFFFFF0]  }
0x30: {  	s15 =	smul.u32 $0x4080, s30;
	s14 =	sshrl.u32 s14, $0x2  }
0x31: {  	s16 =	sor.u32 $0x2000, s14  }
0x32: {  	s31 =	sshrl.u32 s15, $0x2;
	s15 =	sadd.s32 $0x0, s16  }
0x33: {  	s17 =	simm.s32 $0x4;
	s18 =	sadd.s32 $0x20, s18;
	s14 =	sor.u32 $0x2000, s31;
	[tilespmem:s15+$0x810 ss:$0x81] =	vst.msk $0xffff, v1  }
.LBB1_3:
0x34: {  	v1 =	vld [tilespmem:s18+$0x0];
	p1 =	sne.s32 s17, $0x1FC;
	[tilespmem:s15+$0x0 ss:$0x81] =	vst.msk $0xffff, v0;
	s15 =	smov.u32 s17;
	s17 =	sadd.s32 $0x4, s17  }
.Ltmp3:
0x35: {  	v0 =	vld [tilespmem:s18+$0xFFFFFFF0];
	(pc) =	sbr.rel @p1 .LBB1_3-.Ltmp3, $4  }
0x36: {  	_ = 	snop  }
0x37: {  	s15 =	sshra.s32 s15, $0x2  }
0x38: {  	s15 =	sadd.s32 s15, s16  }
0x39: {  	s18 =	sadd.s32 $0x20, s18;
	[tilespmem:s15+$0x810 ss:$0x81] =	vst.msk $0xffff, v1  }
.Ltmp4:
0x3a: {  	_ = 	snop;
	(pc) =	sbr.rel .LBB1_4-.Ltmp4, $1  }
0x3b: {  	_ =	sdelay $0x3  }
.LBB1_6:
0x3c: {  	_ =	sfence.sel $0x180000  }
0x3d: {  	s2 =	simm.s32 $0x1;
	[bflag:$0x0] =	sbarrier.arrive $0xFFFF  }
0x3e: {  	s31 =	simm.s32 $0x2;
	[sflag:s2] =	ssyncpa.u1 $0x1  }
0x3f: {  	[sflag:s31] =	ssyncpa.u1 $0x1  }
0x40: {  	p0 =	sne.s32 s0, $0x0;
	_ =	strace $0x9000004A  }
0x41: {  	s0 =	sadd.s32 @!p0 $0x100000, s1;
	[bflag:$0x2] =	sbarrier.arrive $0xFFFF  }
0x42: {  	[sflag:s0] =	ssyncadd.tile.s32 @!p0 $0x1;
	_ =	shalt  }
.Lfunc_end1:
_tile_overlayer_lowered:
.L_overlay_start_2:
0x43: {  	(tag) =	ssettag $0x2  }
0x44: {  	s0 =	rddreg [dreg:$0x0];
	s2 =	stileid.u32  }
0x45: {  	s1 =	rddreg [dreg:$0x1];
	p0 =	sne.s32 s2, $0x0  }
0x46: {  	s3 =	rddreg [dreg:$0x2];
	[bflag:$0x3] =	sbarrier.arrive $0xFFFF;
	s2 =	simm.s32 @!p0 $0x1C01  }
0x47: {  	[timem:s3], [sflag:s2] =	dma.local @!p0 [hbm:s0], s1  }
0x48: {  	s0 =	simm.s32 @!p0 $0x1  }
0x49: {  	_ =	swait.ge @!p0 [sflag:s0], s1  }
0x4a: {  	s1 =	ssub.s32 @!p0 $0x0, s1;
	[sflag:s0] =	ssyncset.done @!p0 $0x0  }
0x4b: {  	[sflag:s0] =	ssyncadd.s32 @!p0 s1  }
0x4c: {  	[bflag:$0x3] =	sbarrier.arrive $0xFFFF  }
0x4d: {  	_ =	shalt  }

</sc_bundles>
